<compile_context>
chip_gen: v7x
topology: tpu7x:2x2x1
jax: 0.10.2.dev20260603
libtpu: 0.0.44.dev20260713+nightly
codegen_flags: <defaults>
</compile_context>

<pallas_src>
import jax
import jax.numpy as jnp
from jax import lax
from jax.experimental import pallas as pl
from jax.experimental.pallas import tpu as pltpu
from jax.experimental.pallas import tpu_sc as plsc

_NUM_COLS = 26
_VOCAB = 100000
_VAL_DIM = 28
_CID_DIM = 4
_OUT_DIM = 32
_BATCH = 16384

_NW = 32
_ROWS_TOTAL = _BATCH * _NUM_COLS
_ROWS_PER_W = _ROWS_TOTAL // _NW
_CHUNK = 832
_NCHUNKS = _ROWS_PER_W // _CHUNK
_BLOCKS = _CHUNK // _NUM_COLS


def _iota16():
    return lax.broadcasted_iota(jnp.int32, (16,), 0)


def _sc_body(x_hbm, tab_hbm, pat_hbm, out_hbm, ibuf, offs, pv, gbuf, sem):
    wid = lax.axis_index("s") * 2 + lax.axis_index("c")
    base_row = wid * _ROWS_PER_W

    pltpu.sync_copy(pat_hbm, pv)

    def build_offs(j, _):
        lanes = j * 16 + _iota16()
        col = lax.rem(lanes, _NUM_COLS)
        offs[pl.ds(j * 16, 16)] = col * (_VOCAB + 1)
        return 0

    lax.fori_loop(0, _CHUNK // 16, build_offs, 0, unroll=4)

    lane_lt4 = _iota16() < _CID_DIM

    def chunk_body(g, _):
        gbase = base_row + g * _CHUNK
        pltpu.sync_copy(x_hbm.at[pl.ds(gbase, _CHUNK)], ibuf)

        def add_offs(j, _):
            s = pl.ds(j * 16, 16)
            ibuf[s] = ibuf[s] + offs[s]
            return 0

        lax.fori_loop(0, _CHUNK // 16, add_offs, 0, unroll=4)

        pltpu.async_copy(tab_hbm.at[ibuf], gbuf, sem).wait()

        def merge(b, _):
            for u in range(_NUM_COLS):
                r = b * _NUM_COLS + u
                v = gbuf[r, pl.ds(0, 16)]
                p = pv[u, pl.ds(0, 16)]
                gbuf[r, pl.ds(0, 16)] = jnp.where(lane_lt4, p, v)
            return 0

        lax.fori_loop(0, _BLOCKS, merge, 0)

        pltpu.sync_copy(gbuf, out_hbm.at[pl.ds(gbase, _CHUNK)])
        return 0

    lax.fori_loop(0, _NCHUNKS, chunk_body, 0)


_NROWS_TAB = _NUM_COLS * (_VOCAB + 1)


def kernel(x_categ, tables, col_ids):
    x_flat = x_categ.astype(jnp.int32).reshape(_ROWS_TOTAL)
    shift = jnp.eye(_VAL_DIM, _OUT_DIM, k=_CID_DIM, dtype=jnp.float32)
    tab_pad = jax.lax.dot_general(
        tables, shift, (((2,), (0,)), ((), ())),
        preferred_element_type=jnp.float32,
        precision=jax.lax.Precision.HIGHEST,
    ).reshape(_NROWS_TAB, _OUT_DIM)
    pat = jnp.zeros((_NUM_COLS, 16), jnp.float32)
    pat = pat.at[:, :_CID_DIM].set(col_ids)

    mesh = plsc.VectorSubcoreMesh(core_axis_name="c", subcore_axis_name="s")
    run = pl.kernel(
        _sc_body,
        out_type=jax.ShapeDtypeStruct((_ROWS_TOTAL, _OUT_DIM), jnp.float32),
        mesh=mesh,
        compiler_params=pltpu.CompilerParams(use_tc_tiling_on_sc=False),
        scratch_types=[
            pltpu.VMEM((_CHUNK,), jnp.int32),
            pltpu.VMEM((_CHUNK,), jnp.int32),
            pltpu.VMEM((_NUM_COLS, 16), jnp.float32),
            pltpu.VMEM((_CHUNK, _OUT_DIM), jnp.float32),
            pltpu.SemaphoreType.DMA,
        ],
    )
    out = run(x_flat, tab_pad, pat)
    return out.reshape(_BATCH, _NUM_COLS, _OUT_DIM)

# --- scband reference (transcript-rebuilt; emitter-appended) ---
"""Pipeline reference for scband-column-embedding-24833500905535 (READ-ONLY COPY).

The authoritative reference and input builder live on the scoring server;
editing this copy changes nothing except your own understanding.
"""

import jax, jax.numpy as jnp
import numpy as np

NUM_COLS = 26
VOCAB = 100000
DIM = 32
COL_ID_DIM = max(1, DIM // 8)
VAL_EMB_DIM = DIM - COL_ID_DIM
BATCH = 16384


def setup_inputs(seed: int = 0) -> dict:
    key = jax.random.key(seed)
    k_idx, k_tab, k_cid = jax.random.split(key, 3)
    x_categ = jax.random.randint(k_idx, (BATCH, NUM_COLS), 0, VOCAB, dtype=jnp.int64 if jax.config.jax_enable_x64 else jnp.int32)
    # all columns share vocab size, so stack the per-column embedding tables
    # (each table has VOCAB + 1 rows, as in nn.Embedding(num_cat + 1, val_emb_dim))
    tables = jax.random.normal(k_tab, (NUM_COLS, VOCAB + 1, VAL_EMB_DIM), dtype=jnp.float32)
    col_ids = jax.random.normal(k_cid, (NUM_COLS, COL_ID_DIM), dtype=jnp.float32)
    return {"x_categ": x_categ, "tables": tables, "col_ids": col_ids}


def reference(x_categ, tables, col_ids):
    batch_size = x_categ.shape[0]
    outs = []
    for i in range(NUM_COLS):
        val_emb = jnp.take(tables[i], x_categ[:, i], axis=0)  # [B, VAL_EMB_DIM]
        col_id = jnp.broadcast_to(col_ids[i][None, :], (batch_size, COL_ID_DIM))  # [B, COL_ID_DIM]
        out = jnp.concatenate([col_id, val_emb], axis=-1)  # [B, DIM]
        outs.append(out)
    result = jnp.stack(outs, axis=1)  # [B, NUM_COLS, DIM]
    return result

if __name__ == "__main__":
    import jax
    _d = setup_inputs()
    print(jax.jit(kernel)(*tuple(_d.values())))

</pallas_src>

<mosaic_0001>
#map = affine_map<(d0, d1) -> (0)>
#map1 = affine_map<(d0, d1) -> (0, 0)>
module attributes {stable_mosaic.version = 14 : i64} {
  func.func @_sc_body(%arg0: i32, %arg1: i32, %arg2: memref<425984xi32, #tpu.memory_space<hbm>>, %arg3: memref<2600026x32xf32, #tpu.memory_space<hbm>>, %arg4: memref<26x16xf32, #tpu.memory_space<hbm>>, %arg5: memref<425984x32xf32, #tpu.memory_space<hbm>>, %arg6: memref<832xi32, #tpu.memory_space<vmem>>, %arg7: memref<832xi32, #tpu.memory_space<vmem>>, %arg8: memref<26x16xf32, #tpu.memory_space<vmem>>, %arg9: memref<832x32xf32, #tpu.memory_space<vmem>>, %arg10: memref<!tpu.dma_semaphore, #tpu.memory_space<semaphore_mem>>) attributes {dimension_semantics = [#tpu.dimension_semantics<core_parallel>, #tpu.dimension_semantics<subcore_parallel>], iteration_bounds = array<i64: 2, 16>, scalar_prefetch = 0 : i64, scratch_operands = 5 : i64, tpu.core_type = #tpu.core_type<sc_vector_subcore>, window_params = [{transform_indices = #map}, {transform_indices = #map1}, {transform_indices = #map1}, {transform_indices = #map1}]} {
    %mul3A = arith.constant 2 : i32
    %mul3A_0 = arith.muli %arg1, %mul3A : i32
    %add3A = arith.addi %mul3A_0, %arg0 : i32
    %mul3A_1 = arith.constant 13312 : i32
    %mul3A_2 = arith.muli %add3A, %mul3A_1 : i32
    "tpu.region"() ({
      %run_scoped3A = tpu.sem_alloc : memref<!tpu.dma_semaphore, #tpu.memory_space<semaphore_mem>>
      tpu.enqueue_dma source(%arg4 : memref<26x16xf32, #tpu.memory_space<hbm>>) target(%arg8 : memref<26x16xf32, #tpu.memory_space<vmem>>) target_semaphore(%run_scoped3A : memref<!tpu.dma_semaphore, #tpu.memory_space<semaphore_mem>>)
      tpu.wait_dma2 semaphore(%run_scoped3A : memref<!tpu.dma_semaphore, #tpu.memory_space<semaphore_mem>>) src(%arg4 : memref<26x16xf32, #tpu.memory_space<hbm>>) dst(%arg8 : memref<26x16xf32, #tpu.memory_space<vmem>>)
      tpu.yield
    }) : () -> ()
    %scan3A = arith.constant 0 : i32
    %scan3A_3 = arith.constant 0 : i32
    %scan3A_4 = arith.constant 52 : i32
    %scan3A_5 = arith.addi %scan3A_3, %scan3A_4 : i32
    %scan3A_6 = arith.constant 4 : i32
    %scan3A_7 = scf.for %scan3A_18 = %scan3A_3 to %scan3A_5 step %scan3A_6 iter_args(%scan3A_19 = %scan3A) -> (i32)  : i32 {
      %mul3A_20 = arith.constant 16 : i32
      %mul3A_21 = arith.muli %scan3A_18, %mul3A_20 : i32
      %iota3A_22 = tpu.iota {dimensions = array<i32: 0>} : vector<16xi32>
      %add3A_23 = vector.broadcast %mul3A_21 : i32 to vector<16xi32>
      %add3A_24 = arith.addi %add3A_23, %iota3A_22 : vector<16xi32>
      %rem3A = arith.constant 26 : i32
      %rem3A_25 = vector.broadcast %rem3A : i32 to vector<16xi32>
      %rem3A_26 = arith.remsi %add3A_24, %rem3A_25 : vector<16xi32>
      %mul3A_27 = arith.constant 100001 : i32
      %mul3A_28 = vector.broadcast %mul3A_27 : i32 to vector<16xi32>
      %mul3A_29 = arith.muli %rem3A_26, %mul3A_28 : vector<16xi32>
      %mul3A_30 = arith.constant 16 : i32
      %mul3A_31 = arith.muli %scan3A_18, %mul3A_30 : i32
      %swap3A = arith.index_cast %mul3A_31 : i32 to index
      %swap3A_32 = tpu.vector_load %arg7[%swap3A] {strides = array<i32>} : memref<832xi32, #tpu.memory_space<vmem>>, vector<16xi32>,
      %swap3A_33 = vector.shape_cast %swap3A_32 : vector<16xi32> to vector<16xi32>
      %swap3A_34 = vector.shape_cast %mul3A_29 : vector<16xi32> to vector<16xi32>
      tpu.vector_store %arg7[%swap3A], %swap3A_34 {strides = array<i32>} : memref<832xi32, #tpu.memory_space<vmem>>, vector<16xi32>,
      %scan3A_35 = arith.constant 0 : i32
      %scan3A_36 = arith.constant 1 : i32
      %scan3A_37 = arith.addi %scan3A_18, %scan3A_36 : i32
      %mul3A_38 = arith.constant 16 : i32
      %mul3A_39 = arith.muli %scan3A_37, %mul3A_38 : i32
      %iota3A_40 = tpu.iota {dimensions = array<i32: 0>} : vector<16xi32>
      %add3A_41 = vector.broadcast %mul3A_39 : i32 to vector<16xi32>
      %add3A_42 = arith.addi %add3A_41, %iota3A_40 : vector<16xi32>
      %rem3A_43 = arith.constant 26 : i32
      %rem3A_44 = vector.broadcast %rem3A_43 : i32 to vector<16xi32>
      %rem3A_45 = arith.remsi %add3A_42, %rem3A_44 : vector<16xi32>
      %mul3A_46 = arith.constant 100001 : i32
      %mul3A_47 = vector.broadcast %mul3A_46 : i32 to vector<16xi32>
      %mul3A_48 = arith.muli %rem3A_45, %mul3A_47 : vector<16xi32>
      %mul3A_49 = arith.constant 16 : i32
      %mul3A_50 = arith.muli %scan3A_37, %mul3A_49 : i32
      %swap3A_51 = arith.index_cast %mul3A_50 : i32 to index
      %swap3A_52 = tpu.vector_load %arg7[%swap3A_51] {strides = array<i32>} : memref<832xi32, #tpu.memory_space<vmem>>, vector<16xi32>,
      %swap3A_53 = vector.shape_cast %swap3A_52 : vector<16xi32> to vector<16xi32>
      %swap3A_54 = vector.shape_cast %mul3A_48 : vector<16xi32> to vector<16xi32>
      tpu.vector_store %arg7[%swap3A_51], %swap3A_54 {strides = array<i32>} : memref<832xi32, #tpu.memory_space<vmem>>, vector<16xi32>,
      %scan3A_55 = arith.constant 0 : i32
      %scan3A_56 = arith.constant 2 : i32
      %scan3A_57 = arith.addi %scan3A_18, %scan3A_56 : i32
      %mul3A_58 = arith.constant 16 : i32
      %mul3A_59 = arith.muli %scan3A_57, %mul3A_58 : i32
      %iota3A_60 = tpu.iota {dimensions = array<i32: 0>} : vector<16xi32>
      %add3A_61 = vector.broadcast %mul3A_59 : i32 to vector<16xi32>
      %add3A_62 = arith.addi %add3A_61, %iota3A_60 : vector<16xi32>
      %rem3A_63 = arith.constant 26 : i32
      %rem3A_64 = vector.broadcast %rem3A_63 : i32 to vector<16xi32>
      %rem3A_65 = arith.remsi %add3A_62, %rem3A_64 : vector<16xi32>
      %mul3A_66 = arith.constant 100001 : i32
      %mul3A_67 = vector.broadcast %mul3A_66 : i32 to vector<16xi32>
      %mul3A_68 = arith.muli %rem3A_65, %mul3A_67 : vector<16xi32>
      %mul3A_69 = arith.constant 16 : i32
      %mul3A_70 = arith.muli %scan3A_57, %mul3A_69 : i32
      %swap3A_71 = arith.index_cast %mul3A_70 : i32 to index
      %swap3A_72 = tpu.vector_load %arg7[%swap3A_71] {strides = array<i32>} : memref<832xi32, #tpu.memory_space<vmem>>, vector<16xi32>,
      %swap3A_73 = vector.shape_cast %swap3A_72 : vector<16xi32> to vector<16xi32>
      %swap3A_74 = vector.shape_cast %mul3A_68 : vector<16xi32> to vector<16xi32>
      tpu.vector_store %arg7[%swap3A_71], %swap3A_74 {strides = array<i32>} : memref<832xi32, #tpu.memory_space<vmem>>, vector<16xi32>,
      %scan3A_75 = arith.constant 0 : i32
      %scan3A_76 = arith.constant 3 : i32
      %scan3A_77 = arith.addi %scan3A_18, %scan3A_76 : i32
      %mul3A_78 = arith.constant 16 : i32
      %mul3A_79 = arith.muli %scan3A_77, %mul3A_78 : i32
      %iota3A_80 = tpu.iota {dimensions = array<i32: 0>} : vector<16xi32>
      %add3A_81 = vector.broadcast %mul3A_79 : i32 to vector<16xi32>
      %add3A_82 = arith.addi %add3A_81, %iota3A_80 : vector<16xi32>
      %rem3A_83 = arith.constant 26 : i32
      %rem3A_84 = vector.broadcast %rem3A_83 : i32 to vector<16xi32>
      %rem3A_85 = arith.remsi %add3A_82, %rem3A_84 : vector<16xi32>
      %mul3A_86 = arith.constant 100001 : i32
      %mul3A_87 = vector.broadcast %mul3A_86 : i32 to vector<16xi32>
      %mul3A_88 = arith.muli %rem3A_85, %mul3A_87 : vector<16xi32>
      %mul3A_89 = arith.constant 16 : i32
      %mul3A_90 = arith.muli %scan3A_77, %mul3A_89 : i32
      %swap3A_91 = arith.index_cast %mul3A_90 : i32 to index
      %swap3A_92 = tpu.vector_load %arg7[%swap3A_91] {strides = array<i32>} : memref<832xi32, #tpu.memory_space<vmem>>, vector<16xi32>,
      %swap3A_93 = vector.shape_cast %swap3A_92 : vector<16xi32> to vector<16xi32>
      %swap3A_94 = vector.shape_cast %mul3A_88 : vector<16xi32> to vector<16xi32>
      tpu.vector_store %arg7[%swap3A_91], %swap3A_94 {strides = array<i32>} : memref<832xi32, #tpu.memory_space<vmem>>, vector<16xi32>,
      %scan3A_95 = arith.constant 0 : i32
      scf.yield %scan3A_95 : i32
    }
    %scan3A_8 = arith.constant 52 : i32
    %iota3A = tpu.iota {dimensions = array<i32: 0>} : vector<16xi32>
    %lt3A = arith.constant 4 : i32
    %lt3A_9 = vector.broadcast %lt3A : i32 to vector<16xi32>
    %lt3A_10 = arith.cmpi slt, %iota3A, %lt3A_9 : vector<16xi32>
    %scan3A_11 = arith.constant 0 : i32
    %scan3A_12 = arith.constant 0 : i32
    %scan3A_13 = arith.constant 16 : i32
    %scan3A_14 = arith.addi %scan3A_12, %scan3A_13 : i32
    %scan3A_15 = arith.constant 1 : i32
    %scan3A_16 = scf.for %scan3A_18 = %scan3A_12 to %scan3A_14 step %scan3A_15 iter_args(%scan3A_19 = %scan3A_11) -> (i32)  : i32 {
      %mul3A_20 = arith.constant 832 : i32
      %mul3A_21 = arith.muli %scan3A_18, %mul3A_20 : i32
      %add3A_22 = arith.addi %mul3A_2, %mul3A_21 : i32
      "tpu.region"() ({
        %run_scoped3A = tpu.sem_alloc : memref<!tpu.dma_semaphore, #tpu.memory_space<semaphore_mem>>
        %dma_start3A_42 = tpu.memref_slice %arg2[%add3A_22] : memref<425984xi32, #tpu.memory_space<hbm>> -> memref<832xi32, #tpu.memory_space<hbm>>
        %dma_start3A_43 = tpu.memref_slice %arg2[%add3A_22] : memref<425984xi32, #tpu.memory_space<hbm>> -> memref<832xi32, #tpu.memory_space<hbm>>
        tpu.enqueue_dma source(%dma_start3A_43 : memref<832xi32, #tpu.memory_space<hbm>>) target(%arg6 : memref<832xi32, #tpu.memory_space<vmem>>) target_semaphore(%run_scoped3A : memref<!tpu.dma_semaphore, #tpu.memory_space<semaphore_mem>>)
        %dma_wait3A_44 = tpu.memref_slice %arg2[%add3A_22] : memref<425984xi32, #tpu.memory_space<hbm>> -> memref<832xi32, #tpu.memory_space<hbm>>
        %dma_wait3A_45 = tpu.memref_slice %arg2[%add3A_22] : memref<425984xi32, #tpu.memory_space<hbm>> -> memref<832xi32, #tpu.memory_space<hbm>>
        tpu.wait_dma2 semaphore(%run_scoped3A : memref<!tpu.dma_semaphore, #tpu.memory_space<semaphore_mem>>) src(%dma_wait3A_45 : memref<832xi32, #tpu.memory_space<hbm>>) dst(%arg6 : memref<832xi32, #tpu.memory_space<vmem>>)
        tpu.yield
      }) : () -> ()
      %scan3A_23 = arith.constant 0 : i32
      %scan3A_24 = arith.constant 0 : i32
      %scan3A_25 = arith.constant 52 : i32
      %scan3A_26 = arith.addi %scan3A_24, %scan3A_25 : i32
      %scan3A_27 = arith.constant 4 : i32
      %scan3A_28 = scf.for %scan3A_42 = %scan3A_24 to %scan3A_26 step %scan3A_27 iter_args(%scan3A_43 = %scan3A_23) -> (i32)  : i32 {
        %mul3A_44 = arith.constant 16 : i32
        %mul3A_45 = arith.muli %scan3A_42, %mul3A_44 : i32
        %get3A = arith.index_cast %mul3A_45 : i32 to index
        %get3A_46 = tpu.vector_load %arg6[%get3A] {strides = array<i32>} : memref<832xi32, #tpu.memory_space<vmem>>, vector<16xi32>,
        %get3A_47 = vector.shape_cast %get3A_46 : vector<16xi32> to vector<16xi32>
        %get3A_48 = arith.index_cast %mul3A_45 : i32 to index
        %get3A_49 = tpu.vector_load %arg7[%get3A_48] {strides = array<i32>} : memref<832xi32, #tpu.memory_space<vmem>>, vector<16xi32>,
        %get3A_50 = vector.shape_cast %get3A_49 : vector<16xi32> to vector<16xi32>
        %add3A_51 = arith.addi %get3A_47, %get3A_50 : vector<16xi32>
        %swap3A = arith.index_cast %mul3A_45 : i32 to index
        %swap3A_52 = tpu.vector_load %arg6[%swap3A] {strides = array<i32>} : memref<832xi32, #tpu.memory_space<vmem>>, vector<16xi32>,
        %swap3A_53 = vector.shape_cast %swap3A_52 : vector<16xi32> to vector<16xi32>
        %swap3A_54 = vector.shape_cast %add3A_51 : vector<16xi32> to vector<16xi32>
        tpu.vector_store %arg6[%swap3A], %swap3A_54 {strides = array<i32>} : memref<832xi32, #tpu.memory_space<vmem>>, vector<16xi32>,
        %scan3A_55 = arith.constant 0 : i32
        %scan3A_56 = arith.constant 1 : i32
        %scan3A_57 = arith.addi %scan3A_42, %scan3A_56 : i32
        %mul3A_58 = arith.constant 16 : i32
        %mul3A_59 = arith.muli %scan3A_57, %mul3A_58 : i32
        %get3A_60 = arith.index_cast %mul3A_59 : i32 to index
        %get3A_61 = tpu.vector_load %arg6[%get3A_60] {strides = array<i32>} : memref<832xi32, #tpu.memory_space<vmem>>, vector<16xi32>,
        %get3A_62 = vector.shape_cast %get3A_61 : vector<16xi32> to vector<16xi32>
        %get3A_63 = arith.index_cast %mul3A_59 : i32 to index
        %get3A_64 = tpu.vector_load %arg7[%get3A_63] {strides = array<i32>} : memref<832xi32, #tpu.memory_space<vmem>>, vector<16xi32>,
        %get3A_65 = vector.shape_cast %get3A_64 : vector<16xi32> to vector<16xi32>
        %add3A_66 = arith.addi %get3A_62, %get3A_65 : vector<16xi32>
        %swap3A_67 = arith.index_cast %mul3A_59 : i32 to index
        %swap3A_68 = tpu.vector_load %arg6[%swap3A_67] {strides = array<i32>} : memref<832xi32, #tpu.memory_space<vmem>>, vector<16xi32>,
        %swap3A_69 = vector.shape_cast %swap3A_68 : vector<16xi32> to vector<16xi32>
        %swap3A_70 = vector.shape_cast %add3A_66 : vector<16xi32> to vector<16xi32>
        tpu.vector_store %arg6[%swap3A_67], %swap3A_70 {strides = array<i32>} : memref<832xi32, #tpu.memory_space<vmem>>, vector<16xi32>,
        %scan3A_71 = arith.constant 0 : i32
        %scan3A_72 = arith.constant 2 : i32
        %scan3A_73 = arith.addi %scan3A_42, %scan3A_72 : i32
        %mul3A_74 = arith.constant 16 : i32
        %mul3A_75 = arith.muli %scan3A_73, %mul3A_74 : i32
        %get3A_76 = arith.index_cast %mul3A_75 : i32 to index
        %get3A_77 = tpu.vector_load %arg6[%get3A_76] {strides = array<i32>} : memref<832xi32, #tpu.memory_space<vmem>>, vector<16xi32>,
        %get3A_78 = vector.shape_cast %get3A_77 : vector<16xi32> to vector<16xi32>
        %get3A_79 = arith.index_cast %mul3A_75 : i32 to index
        %get3A_80 = tpu.vector_load %arg7[%get3A_79] {strides = array<i32>} : memref<832xi32, #tpu.memory_space<vmem>>, vector<16xi32>,
        %get3A_81 = vector.shape_cast %get3A_80 : vector<16xi32> to vector<16xi32>
        %add3A_82 = arith.addi %get3A_78, %get3A_81 : vector<16xi32>
        %swap3A_83 = arith.index_cast %mul3A_75 : i32 to index
        %swap3A_84 = tpu.vector_load %arg6[%swap3A_83] {strides = array<i32>} : memref<832xi32, #tpu.memory_space<vmem>>, vector<16xi32>,
        %swap3A_85 = vector.shape_cast %swap3A_84 : vector<16xi32> to vector<16xi32>
        %swap3A_86 = vector.shape_cast %add3A_82 : vector<16xi32> to vector<16xi32>
        tpu.vector_store %arg6[%swap3A_83], %swap3A_86 {strides = array<i32>} : memref<832xi32, #tpu.memory_space<vmem>>, vector<16xi32>,
        %scan3A_87 = arith.constant 0 : i32
        %scan3A_88 = arith.constant 3 : i32
        %scan3A_89 = arith.addi %scan3A_42, %scan3A_88 : i32
        %mul3A_90 = arith.constant 16 : i32
        %mul3A_91 = arith.muli %scan3A_89, %mul3A_90 : i32
        %get3A_92 = arith.index_cast %mul3A_91 : i32 to index
        %get3A_93 = tpu.vector_load %arg6[%get3A_92] {strides = array<i32>} : memref<832xi32, #tpu.memory_space<vmem>>, vector<16xi32>,
        %get3A_94 = vector.shape_cast %get3A_93 : vector<16xi32> to vector<16xi32>
        %get3A_95 = arith.index_cast %mul3A_91 : i32 to index
        %get3A_96 = tpu.vector_load %arg7[%get3A_95] {strides = array<i32>} : memref<832xi32, #tpu.memory_space<vmem>>, vector<16xi32>,
        %get3A_97 = vector.shape_cast %get3A_96 : vector<16xi32> to vector<16xi32>
        %add3A_98 = arith.addi %get3A_94, %get3A_97 : vector<16xi32>
        %swap3A_99 = arith.index_cast %mul3A_91 : i32 to index
        %swap3A_100 = tpu.vector_load %arg6[%swap3A_99] {strides = array<i32>} : memref<832xi32, #tpu.memory_space<vmem>>, vector<16xi32>,
        %swap3A_101 = vector.shape_cast %swap3A_100 : vector<16xi32> to vector<16xi32>
        %swap3A_102 = vector.shape_cast %add3A_98 : vector<16xi32> to vector<16xi32>
        tpu.vector_store %arg6[%swap3A_99], %swap3A_102 {strides = array<i32>} : memref<832xi32, #tpu.memory_space<vmem>>, vector<16xi32>,
        %scan3A_103 = arith.constant 0 : i32
        scf.yield %scan3A_103 : i32
      }
      %scan3A_29 = arith.constant 52 : i32
      %dma_start3A = arith.constant 0 : i32
      %dma_start3A_30 = arith.constant 0 : i32
      %dma_start3A_31 = tpu.memref_slice %arg3[%dma_start3A, %dma_start3A_30] : memref<2600026x32xf32, #tpu.memory_space<hbm>> -> memref<2600026x32xf32, #tpu.memory_space<hbm>>
      tpu.enqueue_indirect_dma source(%dma_start3A_31 : memref<2600026x32xf32, #tpu.memory_space<hbm>>) target(%arg9 : memref<832x32xf32, #tpu.memory_space<vmem>>) offsets(%arg6 : memref<832xi32, #tpu.memory_space<vmem>>) semaphore(%arg10 : memref<!tpu.dma_semaphore, #tpu.memory_space<semaphore_mem>>)
      %dma_wait3A = arith.constant 0 : i32
      %dma_wait3A_32 = arith.constant 0 : i32
      %dma_wait3A_33 = tpu.memref_slice %arg3[%dma_wait3A, %dma_wait3A_32] : memref<2600026x32xf32, #tpu.memory_space<hbm>> -> memref<2600026x32xf32, #tpu.memory_space<hbm>>
      tpu.wait_indirect_dma semaphore(%arg10 : memref<!tpu.dma_semaphore, #tpu.memory_space<semaphore_mem>>) src(%dma_wait3A_33 : memref<2600026x32xf32, #tpu.memory_space<hbm>>) dst(%arg9 : memref<832x32xf32, #tpu.memory_space<vmem>>)
      %scan3A_34 = arith.constant 0 : i32
      %scan3A_35 = arith.constant 0 : i32
      %scan3A_36 = arith.constant 32 : i32
      %scan3A_37 = arith.addi %scan3A_35, %scan3A_36 : i32
      %scan3A_38 = arith.constant 1 : i32
      %scan3A_39 = scf.for %scan3A_42 = %scan3A_35 to %scan3A_37 step %scan3A_38 iter_args(%scan3A_43 = %scan3A_34) -> (i32)  : i32 {
        %mul3A_44 = arith.constant 26 : i32
        %mul3A_45 = arith.muli %scan3A_42, %mul3A_44 : i32
        %add3A_46 = arith.constant 0 : i32
        %add3A_47 = arith.addi %mul3A_45, %add3A_46 : i32
        %get3A = arith.index_cast %add3A_47 : i32 to index
        %get3A_48 = arith.constant 0 : index
        %get3A_49 = tpu.vector_load %arg9[%get3A, %get3A_48] {strides = array<i32>} : memref<832x32xf32, #tpu.memory_space<vmem>>, vector<1x16xf32>,
        %get3A_50 = vector.shape_cast %get3A_49 : vector<1x16xf32> to vector<16xf32>
        %get3A_51 = arith.constant 0 : i32
        %get3A_52 = arith.index_cast %get3A_51 : i32 to index
        %get3A_53 = arith.constant 0 : index
        %get3A_54 = tpu.vector_load %arg8[%get3A_52, %get3A_53] {strides = array<i32>} : memref<26x16xf32, #tpu.memory_space<vmem>>, vector<1x16xf32>,
        %get3A_55 = vector.shape_cast %get3A_54 : vector<1x16xf32> to vector<16xf32>
        %select_n3A = arith.select %lt3A_10, %get3A_55, %get3A_50 : vector<16xi1>, vector<16xf32>
        %swap3A = arith.index_cast %add3A_47 : i32 to index
        %swap3A_56 = arith.constant 0 : index
        %swap3A_57 = tpu.vector_load %arg9[%swap3A, %swap3A_56] {strides = array<i32>} : memref<832x32xf32, #tpu.memory_space<vmem>>, vector<1x16xf32>,
        %swap3A_58 = vector.shape_cast %swap3A_57 : vector<1x16xf32> to vector<16xf32>
        %swap3A_59 = vector.shape_cast %select_n3A : vector<16xf32> to vector<1x16xf32>
        tpu.vector_store %arg9[%swap3A, %swap3A_56], %swap3A_59 {strides = array<i32>} : memref<832x32xf32, #tpu.memory_space<vmem>>, vector<1x16xf32>,
        %mul3A_60 = arith.constant 26 : i32
        %mul3A_61 = arith.muli %scan3A_42, %mul3A_60 : i32
        %add3A_62 = arith.constant 1 : i32
        %add3A_63 = arith.addi %mul3A_61, %add3A_62 : i32
        %get3A_64 = arith.index_cast %add3A_63 : i32 to index
        %get3A_65 = arith.constant 0 : index
        %get3A_66 = tpu.vector_load %arg9[%get3A_64, %get3A_65] {strides = array<i32>} : memref<832x32xf32, #tpu.memory_space<vmem>>, vector<1x16xf32>,
        %get3A_67 = vector.shape_cast %get3A_66 : vector<1x16xf32> to vector<16xf32>
        %get3A_68 = arith.constant 1 : i32
        %get3A_69 = arith.index_cast %get3A_68 : i32 to index
        %get3A_70 = arith.constant 0 : index
        %get3A_71 = tpu.vector_load %arg8[%get3A_69, %get3A_70] {strides = array<i32>} : memref<26x16xf32, #tpu.memory_space<vmem>>, vector<1x16xf32>,
        %get3A_72 = vector.shape_cast %get3A_71 : vector<1x16xf32> to vector<16xf32>
        %select_n3A_73 = arith.select %lt3A_10, %get3A_72, %get3A_67 : vector<16xi1>, vector<16xf32>
        %swap3A_74 = arith.index_cast %add3A_63 : i32 to index
        %swap3A_75 = arith.constant 0 : index
        %swap3A_76 = tpu.vector_load %arg9[%swap3A_74, %swap3A_75] {strides = array<i32>} : memref<832x32xf32, #tpu.memory_space<vmem>>, vector<1x16xf32>,
        %swap3A_77 = vector.shape_cast %swap3A_76 : vector<1x16xf32> to vector<16xf32>
        %swap3A_78 = vector.shape_cast %select_n3A_73 : vector<16xf32> to vector<1x16xf32>
        tpu.vector_store %arg9[%swap3A_74, %swap3A_75], %swap3A_78 {strides = array<i32>} : memref<832x32xf32, #tpu.memory_space<vmem>>, vector<1x16xf32>,
        %mul3A_79 = arith.constant 26 : i32
        %mul3A_80 = arith.muli %scan3A_42, %mul3A_79 : i32
        %add3A_81 = arith.constant 2 : i32
        %add3A_82 = arith.addi %mul3A_80, %add3A_81 : i32
        %get3A_83 = arith.index_cast %add3A_82 : i32 to index
        %get3A_84 = arith.constant 0 : index
        %get3A_85 = tpu.vector_load %arg9[%get3A_83, %get3A_84] {strides = array<i32>} : memref<832x32xf32, #tpu.memory_space<vmem>>, vector<1x16xf32>,
        %get3A_86 = vector.shape_cast %get3A_85 : vector<1x16xf32> to vector<16xf32>
        %get3A_87 = arith.constant 2 : i32
        %get3A_88 = arith.index_cast %get3A_87 : i32 to index
        %get3A_89 = arith.constant 0 : index
        %get3A_90 = tpu.vector_load %arg8[%get3A_88, %get3A_89] {strides = array<i32>} : memref<26x16xf32, #tpu.memory_space<vmem>>, vector<1x16xf32>,
        %get3A_91 = vector.shape_cast %get3A_90 : vector<1x16xf32> to vector<16xf32>
        %select_n3A_92 = arith.select %lt3A_10, %get3A_91, %get3A_86 : vector<16xi1>, vector<16xf32>
        %swap3A_93 = arith.index_cast %add3A_82 : i32 to index
        %swap3A_94 = arith.constant 0 : index
        %swap3A_95 = tpu.vector_load %arg9[%swap3A_93, %swap3A_94] {strides = array<i32>} : memref<832x32xf32, #tpu.memory_space<vmem>>, vector<1x16xf32>,
        %swap3A_96 = vector.shape_cast %swap3A_95 : vector<1x16xf32> to vector<16xf32>
        %swap3A_97 = vector.shape_cast %select_n3A_92 : vector<16xf32> to vector<1x16xf32>
        tpu.vector_store %arg9[%swap3A_93, %swap3A_94], %swap3A_97 {strides = array<i32>} : memref<832x32xf32, #tpu.memory_space<vmem>>, vector<1x16xf32>,
        %mul3A_98 = arith.constant 26 : i32
        %mul3A_99 = arith.muli %scan3A_42, %mul3A_98 : i32
        %add3A_100 = arith.constant 3 : i32
        %add3A_101 = arith.addi %mul3A_99, %add3A_100 : i32
        %get3A_102 = arith.index_cast %add3A_101 : i32 to index
        %get3A_103 = arith.constant 0 : index
        %get3A_104 = tpu.vector_load %arg9[%get3A_102, %get3A_103] {strides = array<i32>} : memref<832x32xf32, #tpu.memory_space<vmem>>, vector<1x16xf32>,
        %get3A_105 = vector.shape_cast %get3A_104 : vector<1x16xf32> to vector<16xf32>
        %get3A_106 = arith.constant 3 : i32
        %get3A_107 = arith.index_cast %get3A_106 : i32 to index
        %get3A_108 = arith.constant 0 : index
        %get3A_109 = tpu.vector_load %arg8[%get3A_107, %get3A_108] {strides = array<i32>} : memref<26x16xf32, #tpu.memory_space<vmem>>, vector<1x16xf32>,
        %get3A_110 = vector.shape_cast %get3A_109 : vector<1x16xf32> to vector<16xf32>
        %select_n3A_111 = arith.select %lt3A_10, %get3A_110, %get3A_105 : vector<16xi1>, vector<16xf32>
        %swap3A_112 = arith.index_cast %add3A_101 : i32 to index
        %swap3A_113 = arith.constant 0 : index
        %swap3A_114 = tpu.vector_load %arg9[%swap3A_112, %swap3A_113] {strides = array<i32>} : memref<832x32xf32, #tpu.memory_space<vmem>>, vector<1x16xf32>,
        %swap3A_115 = vector.shape_cast %swap3A_114 : vector<1x16xf32> to vector<16xf32>
        %swap3A_116 = vector.shape_cast %select_n3A_111 : vector<16xf32> to vector<1x16xf32>
        tpu.vector_store %arg9[%swap3A_112, %swap3A_113], %swap3A_116 {strides = array<i32>} : memref<832x32xf32, #tpu.memory_space<vmem>>, vector<1x16xf32>,
        %mul3A_117 = arith.constant 26 : i32
        %mul3A_118 = arith.muli %scan3A_42, %mul3A_117 : i32
        %add3A_119 = arith.constant 4 : i32
        %add3A_120 = arith.addi %mul3A_118, %add3A_119 : i32
        %get3A_121 = arith.index_cast %add3A_120 : i32 to index
        %get3A_122 = arith.constant 0 : index
        %get3A_123 = tpu.vector_load %arg9[%get3A_121, %get3A_122] {strides = array<i32>} : memref<832x32xf32, #tpu.memory_space<vmem>>, vector<1x16xf32>,
        %get3A_124 = vector.shape_cast %get3A_123 : vector<1x16xf32> to vector<16xf32>
        %get3A_125 = arith.constant 4 : i32
        %get3A_126 = arith.index_cast %get3A_125 : i32 to index
        %get3A_127 = arith.constant 0 : index
        %get3A_128 = tpu.vector_load %arg8[%get3A_126, %get3A_127] {strides = array<i32>} : memref<26x16xf32, #tpu.memory_space<vmem>>, vector<1x16xf32>,
        %get3A_129 = vector.shape_cast %get3A_128 : vector<1x16xf32> to vector<16xf32>
        %select_n3A_130 = arith.select %lt3A_10, %get3A_129, %get3A_124 : vector<16xi1>, vector<16xf32>
        %swap3A_131 = arith.index_cast %add3A_120 : i32 to index
        %swap3A_132 = arith.constant 0 : index
        %swap3A_133 = tpu.vector_load %arg9[%swap3A_131, %swap3A_132] {strides = array<i32>} : memref<832x32xf32, #tpu.memory_space<vmem>>, vector<1x16xf32>,
        %swap3A_134 = vector.shape_cast %swap3A_133 : vector<1x16xf32> to vector<16xf32>
        %swap3A_135 = vector.shape_cast %select_n3A_130 : vector<16xf32> to vector<1x16xf32>
        tpu.vector_store %arg9[%swap3A_131, %swap3A_132], %swap3A_135 {strides = array<i32>} : memref<832x32xf32, #tpu.memory_space<vmem>>, vector<1x16xf32>,
        %mul3A_136 = arith.constant 26 : i32
        %mul3A_137 = arith.muli %scan3A_42, %mul3A_136 : i32
        %add3A_138 = arith.constant 5 : i32
        %add3A_139 = arith.addi %mul3A_137, %add3A_138 : i32
        %get3A_140 = arith.index_cast %add3A_139 : i32 to index
        %get3A_141 = arith.constant 0 : index
        %get3A_142 = tpu.vector_load %arg9[%get3A_140, %get3A_141] {strides = array<i32>} : memref<832x32xf32, #tpu.memory_space<vmem>>, vector<1x16xf32>,
        %get3A_143 = vector.shape_cast %get3A_142 : vector<1x16xf32> to vector<16xf32>
        %get3A_144 = arith.constant 5 : i32
        %get3A_145 = arith.index_cast %get3A_144 : i32 to index
        %get3A_146 = arith.constant 0 : index
        %get3A_147 = tpu.vector_load %arg8[%get3A_145, %get3A_146] {strides = array<i32>} : memref<26x16xf32, #tpu.memory_space<vmem>>, vector<1x16xf32>,
        %get3A_148 = vector.shape_cast %get3A_147 : vector<1x16xf32> to vector<16xf32>
        %select_n3A_149 = arith.select %lt3A_10, %get3A_148, %get3A_143 : vector<16xi1>, vector<16xf32>
        %swap3A_150 = arith.index_cast %add3A_139 : i32 to index
        %swap3A_151 = arith.constant 0 : index
        %swap3A_152 = tpu.vector_load %arg9[%swap3A_150, %swap3A_151] {strides = array<i32>} : memref<832x32xf32, #tpu.memory_space<vmem>>, vector<1x16xf32>,
        %swap3A_153 = vector.shape_cast %swap3A_152 : vector<1x16xf32> to vector<16xf32>
        %swap3A_154 = vector.shape_cast %select_n3A_149 : vector<16xf32> to vector<1x16xf32>
        tpu.vector_store %arg9[%swap3A_150, %swap3A_151], %swap3A_154 {strides = array<i32>} : memref<832x32xf32, #tpu.memory_space<vmem>>, vector<1x16xf32>,
        %mul3A_155 = arith.constant 26 : i32
        %mul3A_156 = arith.muli %scan3A_42, %mul3A_155 : i32
        %add3A_157 = arith.constant 6 : i32
        %add3A_158 = arith.addi %mul3A_156, %add3A_157 : i32
        %get3A_159 = arith.index_cast %add3A_158 : i32 to index
        %get3A_160 = arith.constant 0 : index
        %get3A_161 = tpu.vector_load %arg9[%get3A_159, %get3A_160] {strides = array<i32>} : memref<832x32xf32, #tpu.memory_space<vmem>>, vector<1x16xf32>,
        %get3A_162 = vector.shape_cast %get3A_161 : vector<1x16xf32> to vector<16xf32>
        %get3A_163 = arith.constant 6 : i32
        %get3A_164 = arith.index_cast %get3A_163 : i32 to index
        %get3A_165 = arith.constant 0 : index
        %get3A_166 = tpu.vector_load %arg8[%get3A_164, %get3A_165] {strides = array<i32>} : memref<26x16xf32, #tpu.memory_space<vmem>>, vector<1x16xf32>,
        %get3A_167 = vector.shape_cast %get3A_166 : vector<1x16xf32> to vector<16xf32>
        %select_n3A_168 = arith.select %lt3A_10, %get3A_167, %get3A_162 : vector<16xi1>, vector<16xf32>
        %swap3A_169 = arith.index_cast %add3A_158 : i32 to index
        %swap3A_170 = arith.constant 0 : index
        %swap3A_171 = tpu.vector_load %arg9[%swap3A_169, %swap3A_170] {strides = array<i32>} : memref<832x32xf32, #tpu.memory_space<vmem>>, vector<1x16xf32>,
        %swap3A_172 = vector.shape_cast %swap3A_171 : vector<1x16xf32> to vector<16xf32>
        %swap3A_173 = vector.shape_cast %select_n3A_168 : vector<16xf32> to vector<1x16xf32>
        tpu.vector_store %arg9[%swap3A_169, %swap3A_170], %swap3A_173 {strides = array<i32>} : memref<832x32xf32, #tpu.memory_space<vmem>>, vector<1x16xf32>,
        %mul3A_174 = arith.constant 26 : i32
        %mul3A_175 = arith.muli %scan3A_42, %mul3A_174 : i32
        %add3A_176 = arith.constant 7 : i32
        %add3A_177 = arith.addi %mul3A_175, %add3A_176 : i32
        %get3A_178 = arith.index_cast %add3A_177 : i32 to index
        %get3A_179 = arith.constant 0 : index
        %get3A_180 = tpu.vector_load %arg9[%get3A_178, %get3A_179] {strides = array<i32>} : memref<832x32xf32, #tpu.memory_space<vmem>>, vector<1x16xf32>,
        %get3A_181 = vector.shape_cast %get3A_180 : vector<1x16xf32> to vector<16xf32>
        %get3A_182 = arith.constant 7 : i32
        %get3A_183 = arith.index_cast %get3A_182 : i32 to index
        %get3A_184 = arith.constant 0 : index
        %get3A_185 = tpu.vector_load %arg8[%get3A_183, %get3A_184] {strides = array<i32>} : memref<26x16xf32, #tpu.memory_space<vmem>>, vector<1x16xf32>,
        %get3A_186 = vector.shape_cast %get3A_185 : vector<1x16xf32> to vector<16xf32>
        %select_n3A_187 = arith.select %lt3A_10, %get3A_186, %get3A_181 : vector<16xi1>, vector<16xf32>
        %swap3A_188 = arith.index_cast %add3A_177 : i32 to index
        %swap3A_189 = arith.constant 0 : index
        %swap3A_190 = tpu.vector_load %arg9[%swap3A_188, %swap3A_189] {strides = array<i32>} : memref<832x32xf32, #tpu.memory_space<vmem>>, vector<1x16xf32>,
        %swap3A_191 = vector.shape_cast %swap3A_190 : vector<1x16xf32> to vector<16xf32>
        %swap3A_192 = vector.shape_cast %select_n3A_187 : vector<16xf32> to vector<1x16xf32>
        tpu.vector_store %arg9[%swap3A_188, %swap3A_189], %swap3A_192 {strides = array<i32>} : memref<832x32xf32, #tpu.memory_space<vmem>>, vector<1x16xf32>,
        %mul3A_193 = arith.constant 26 : i32
        %mul3A_194 = arith.muli %scan3A_42, %mul3A_193 : i32
        %add3A_195 = arith.constant 8 : i32
        %add3A_196 = arith.addi %mul3A_194, %add3A_195 : i32
        %get3A_197 = arith.index_cast %add3A_196 : i32 to index
        %get3A_198 = arith.constant 0 : index
        %get3A_199 = tpu.vector_load %arg9[%get3A_197, %get3A_198] {strides = array<i32>} : memref<832x32xf32, #tpu.memory_space<vmem>>, vector<1x16xf32>,
        %get3A_200 = vector.shape_cast %get3A_199 : vector<1x16xf32> to vector<16xf32>
        %get3A_201 = arith.constant 8 : i32
        %get3A_202 = arith.index_cast %get3A_201 : i32 to index
        %get3A_203 = arith.constant 0 : index
        %get3A_204 = tpu.vector_load %arg8[%get3A_202, %get3A_203] {strides = array<i32>} : memref<26x16xf32, #tpu.memory_space<vmem>>, vector<1x16xf32>,
        %get3A_205 = vector.shape_cast %get3A_204 : vector<1x16xf32> to vector<16xf32>
        %select_n3A_206 = arith.select %lt3A_10, %get3A_205, %get3A_200 : vector<16xi1>, vector<16xf32>
        %swap3A_207 = arith.index_cast %add3A_196 : i32 to index
        %swap3A_208 = arith.constant 0 : index
        %swap3A_209 = tpu.vector_load %arg9[%swap3A_207, %swap3A_208] {strides = array<i32>} : memref<832x32xf32, #tpu.memory_space<vmem>>, vector<1x16xf32>,
        %swap3A_210 = vector.shape_cast %swap3A_209 : vector<1x16xf32> to vector<16xf32>
        %swap3A_211 = vector.shape_cast %select_n3A_206 : vector<16xf32> to vector<1x16xf32>
        tpu.vector_store %arg9[%swap3A_207, %swap3A_208], %swap3A_211 {strides = array<i32>} : memref<832x32xf32, #tpu.memory_space<vmem>>, vector<1x16xf32>,
        %mul3A_212 = arith.constant 26 : i32
        %mul3A_213 = arith.muli %scan3A_42, %mul3A_212 : i32
        %add3A_214 = arith.constant 9 : i32
        %add3A_215 = arith.addi %mul3A_213, %add3A_214 : i32
        %get3A_216 = arith.index_cast %add3A_215 : i32 to index
        %get3A_217 = arith.constant 0 : index
        %get3A_218 = tpu.vector_load %arg9[%get3A_216, %get3A_217] {strides = array<i32>} : memref<832x32xf32, #tpu.memory_space<vmem>>, vector<1x16xf32>,
        %get3A_219 = vector.shape_cast %get3A_218 : vector<1x16xf32> to vector<16xf32>
        %get3A_220 = arith.constant 9 : i32
        %get3A_221 = arith.index_cast %get3A_220 : i32 to index
        %get3A_222 = arith.constant 0 : index
        %get3A_223 = tpu.vector_load %arg8[%get3A_221, %get3A_222] {strides = array<i32>} : memref<26x16xf32, #tpu.memory_space<vmem>>, vector<1x16xf32>,
        %get3A_224 = vector.shape_cast %get3A_223 : vector<1x16xf32> to vector<16xf32>
        %select_n3A_225 = arith.select %lt3A_10, %get3A_224, %get3A_219 : vector<16xi1>, vector<16xf32>
        %swap3A_226 = arith.index_cast %add3A_215 : i32 to index
        %swap3A_227 = arith.constant 0 : index
        %swap3A_228 = tpu.vector_load %arg9[%swap3A_226, %swap3A_227] {strides = array<i32>} : memref<832x32xf32, #tpu.memory_space<vmem>>, vector<1x16xf32>,
        %swap3A_229 = vector.shape_cast %swap3A_228 : vector<1x16xf32> to vector<16xf32>
        %swap3A_230 = vector.shape_cast %select_n3A_225 : vector<16xf32> to vector<1x16xf32>
        tpu.vector_store %arg9[%swap3A_226, %swap3A_227], %swap3A_230 {strides = array<i32>} : memref<832x32xf32, #tpu.memory_space<vmem>>, vector<1x16xf32>,
        %mul3A_231 = arith.constant 26 : i32
        %mul3A_232 = arith.muli %scan3A_42, %mul3A_231 : i32
        %add3A_233 = arith.constant 10 : i32
        %add3A_234 = arith.addi %mul3A_232, %add3A_233 : i32
        %get3A_235 = arith.index_cast %add3A_234 : i32 to index
        %get3A_236 = arith.constant 0 : index
        %get3A_237 = tpu.vector_load %arg9[%get3A_235, %get3A_236] {strides = array<i32>} : memref<832x32xf32, #tpu.memory_space<vmem>>, vector<1x16xf32>,
        %get3A_238 = vector.shape_cast %get3A_237 : vector<1x16xf32> to vector<16xf32>
        %get3A_239 = arith.constant 10 : i32
        %get3A_240 = arith.index_cast %get3A_239 : i32 to index
        %get3A_241 = arith.constant 0 : index
        %get3A_242 = tpu.vector_load %arg8[%get3A_240, %get3A_241] {strides = array<i32>} : memref<26x16xf32, #tpu.memory_space<vmem>>, vector<1x16xf32>,
        %get3A_243 = vector.shape_cast %get3A_242 : vector<1x16xf32> to vector<16xf32>
        %select_n3A_244 = arith.select %lt3A_10, %get3A_243, %get3A_238 : vector<16xi1>, vector<16xf32>
        %swap3A_245 = arith.index_cast %add3A_234 : i32 to index
        %swap3A_246 = arith.constant 0 : index
        %swap3A_247 = tpu.vector_load %arg9[%swap3A_245, %swap3A_246] {strides = array<i32>} : memref<832x32xf32, #tpu.memory_space<vmem>>, vector<1x16xf32>,
        %swap3A_248 = vector.shape_cast %swap3A_247 : vector<1x16xf32> to vector<16xf32>
        %swap3A_249 = vector.shape_cast %select_n3A_244 : vector<16xf32> to vector<1x16xf32>
        tpu.vector_store %arg9[%swap3A_245, %swap3A_246], %swap3A_249 {strides = array<i32>} : memref<832x32xf32, #tpu.memory_space<vmem>>, vector<1x16xf32>,
        %mul3A_250 = arith.constant 26 : i32
        %mul3A_251 = arith.muli %scan3A_42, %mul3A_250 : i32
        %add3A_252 = arith.constant 11 : i32
        %add3A_253 = arith.addi %mul3A_251, %add3A_252 : i32
        %get3A_254 = arith.index_cast %add3A_253 : i32 to index
        %get3A_255 = arith.constant 0 : index
        %get3A_256 = tpu.vector_load %arg9[%get3A_254, %get3A_255] {strides = array<i32>} : memref<832x32xf32, #tpu.memory_space<vmem>>, vector<1x16xf32>,
        %get3A_257 = vector.shape_cast %get3A_256 : vector<1x16xf32> to vector<16xf32>
        %get3A_258 = arith.constant 11 : i32
        %get3A_259 = arith.index_cast %get3A_258 : i32 to index
        %get3A_260 = arith.constant 0 : index
        %get3A_261 = tpu.vector_load %arg8[%get3A_259, %get3A_260] {strides = array<i32>} : memref<26x16xf32, #tpu.memory_space<vmem>>, vector<1x16xf32>,
        %get3A_262 = vector.shape_cast %get3A_261 : vector<1x16xf32> to vector<16xf32>
        %select_n3A_263 = arith.select %lt3A_10, %get3A_262, %get3A_257 : vector<16xi1>, vector<16xf32>
        %swap3A_264 = arith.index_cast %add3A_253 : i32 to index
        %swap3A_265 = arith.constant 0 : index
        %swap3A_266 = tpu.vector_load %arg9[%swap3A_264, %swap3A_265] {strides = array<i32>} : memref<832x32xf32, #tpu.memory_space<vmem>>, vector<1x16xf32>,
        %swap3A_267 = vector.shape_cast %swap3A_266 : vector<1x16xf32> to vector<16xf32>
        %swap3A_268 = vector.shape_cast %select_n3A_263 : vector<16xf32> to vector<1x16xf32>
        tpu.vector_store %arg9[%swap3A_264, %swap3A_265], %swap3A_268 {strides = array<i32>} : memref<832x32xf32, #tpu.memory_space<vmem>>, vector<1x16xf32>,
        %mul3A_269 = arith.constant 26 : i32
        %mul3A_270 = arith.muli %scan3A_42, %mul3A_269 : i32
        %add3A_271 = arith.constant 12 : i32
        %add3A_272 = arith.addi %mul3A_270, %add3A_271 : i32
        %get3A_273 = arith.index_cast %add3A_272 : i32 to index
        %get3A_274 = arith.constant 0 : index
        %get3A_275 = tpu.vector_load %arg9[%get3A_273, %get3A_274] {strides = array<i32>} : memref<832x32xf32, #tpu.memory_space<vmem>>, vector<1x16xf32>,
        %get3A_276 = vector.shape_cast %get3A_275 : vector<1x16xf32> to vector<16xf32>
        %get3A_277 = arith.constant 12 : i32
        %get3A_278 = arith.index_cast %get3A_277 : i32 to index
        %get3A_279 = arith.constant 0 : index
        %get3A_280 = tpu.vector_load %arg8[%get3A_278, %get3A_279] {strides = array<i32>} : memref<26x16xf32, #tpu.memory_space<vmem>>, vector<1x16xf32>,
        %get3A_281 = vector.shape_cast %get3A_280 : vector<1x16xf32> to vector<16xf32>
        %select_n3A_282 = arith.select %lt3A_10, %get3A_281, %get3A_276 : vector<16xi1>, vector<16xf32>
        %swap3A_283 = arith.index_cast %add3A_272 : i32 to index
        %swap3A_284 = arith.constant 0 : index
        %swap3A_285 = tpu.vector_load %arg9[%swap3A_283, %swap3A_284] {strides = array<i32>} : memref<832x32xf32, #tpu.memory_space<vmem>>, vector<1x16xf32>,
        %swap3A_286 = vector.shape_cast %swap3A_285 : vector<1x16xf32> to vector<16xf32>
        %swap3A_287 = vector.shape_cast %select_n3A_282 : vector<16xf32> to vector<1x16xf32>
        tpu.vector_store %arg9[%swap3A_283, %swap3A_284], %swap3A_287 {strides = array<i32>} : memref<832x32xf32, #tpu.memory_space<vmem>>, vector<1x16xf32>,
        %mul3A_288 = arith.constant 26 : i32
        %mul3A_289 = arith.muli %scan3A_42, %mul3A_288 : i32
        %add3A_290 = arith.constant 13 : i32
        %add3A_291 = arith.addi %mul3A_289, %add3A_290 : i32
        %get3A_292 = arith.index_cast %add3A_291 : i32 to index
        %get3A_293 = arith.constant 0 : index
        %get3A_294 = tpu.vector_load %arg9[%get3A_292, %get3A_293] {strides = array<i32>} : memref<832x32xf32, #tpu.memory_space<vmem>>, vector<1x16xf32>,
        %get3A_295 = vector.shape_cast %get3A_294 : vector<1x16xf32> to vector<16xf32>
        %get3A_296 = arith.constant 13 : i32
        %get3A_297 = arith.index_cast %get3A_296 : i32 to index
        %get3A_298 = arith.constant 0 : index
        %get3A_299 = tpu.vector_load %arg8[%get3A_297, %get3A_298] {strides = array<i32>} : memref<26x16xf32, #tpu.memory_space<vmem>>, vector<1x16xf32>,
        %get3A_300 = vector.shape_cast %get3A_299 : vector<1x16xf32> to vector<16xf32>
        %select_n3A_301 = arith.select %lt3A_10, %get3A_300, %get3A_295 : vector<16xi1>, vector<16xf32>
        %swap3A_302 = arith.index_cast %add3A_291 : i32 to index
        %swap3A_303 = arith.constant 0 : index
        %swap3A_304 = tpu.vector_load %arg9[%swap3A_302, %swap3A_303] {strides = array<i32>} : memref<832x32xf32, #tpu.memory_space<vmem>>, vector<1x16xf32>,
        %swap3A_305 = vector.shape_cast %swap3A_304 : vector<1x16xf32> to vector<16xf32>
        %swap3A_306 = vector.shape_cast %select_n3A_301 : vector<16xf32> to vector<1x16xf32>
        tpu.vector_store %arg9[%swap3A_302, %swap3A_303], %swap3A_306 {strides = array<i32>} : memref<832x32xf32, #tpu.memory_space<vmem>>, vector<1x16xf32>,
        %mul3A_307 = arith.constant 26 : i32
        %mul3A_308 = arith.muli %scan3A_42, %mul3A_307 : i32
        %add3A_309 = arith.constant 14 : i32
        %add3A_310 = arith.addi %mul3A_308, %add3A_309 : i32
        %get3A_311 = arith.index_cast %add3A_310 : i32 to index
        %get3A_312 = arith.constant 0 : index
        %get3A_313 = tpu.vector_load %arg9[%get3A_311, %get3A_312] {strides = array<i32>} : memref<832x32xf32, #tpu.memory_space<vmem>>, vector<1x16xf32>,
        %get3A_314 = vector.shape_cast %get3A_313 : vector<1x16xf32> to vector<16xf32>
        %get3A_315 = arith.constant 14 : i32
        %get3A_316 = arith.index_cast %get3A_315 : i32 to index
        %get3A_317 = arith.constant 0 : index
        %get3A_318 = tpu.vector_load %arg8[%get3A_316, %get3A_317] {strides = array<i32>} : memref<26x16xf32, #tpu.memory_space<vmem>>, vector<1x16xf32>,
        %get3A_319 = vector.shape_cast %get3A_318 : vector<1x16xf32> to vector<16xf32>
        %select_n3A_320 = arith.select %lt3A_10, %get3A_319, %get3A_314 : vector<16xi1>, vector<16xf32>
        %swap3A_321 = arith.index_cast %add3A_310 : i32 to index
        %swap3A_322 = arith.constant 0 : index
        %swap3A_323 = tpu.vector_load %arg9[%swap3A_321, %swap3A_322] {strides = array<i32>} : memref<832x32xf32, #tpu.memory_space<vmem>>, vector<1x16xf32>,
        %swap3A_324 = vector.shape_cast %swap3A_323 : vector<1x16xf32> to vector<16xf32>
        %swap3A_325 = vector.shape_cast %select_n3A_320 : vector<16xf32> to vector<1x16xf32>
        tpu.vector_store %arg9[%swap3A_321, %swap3A_322], %swap3A_325 {strides = array<i32>} : memref<832x32xf32, #tpu.memory_space<vmem>>, vector<1x16xf32>,
        %mul3A_326 = arith.constant 26 : i32
        %mul3A_327 = arith.muli %scan3A_42, %mul3A_326 : i32
        %add3A_328 = arith.constant 15 : i32
        %add3A_329 = arith.addi %mul3A_327, %add3A_328 : i32
        %get3A_330 = arith.index_cast %add3A_329 : i32 to index
        %get3A_331 = arith.constant 0 : index
        %get3A_332 = tpu.vector_load %arg9[%get3A_330, %get3A_331] {strides = array<i32>} : memref<832x32xf32, #tpu.memory_space<vmem>>, vector<1x16xf32>,
        %get3A_333 = vector.shape_cast %get3A_332 : vector<1x16xf32> to vector<16xf32>
        %get3A_334 = arith.constant 15 : i32
        %get3A_335 = arith.index_cast %get3A_334 : i32 to index
        %get3A_336 = arith.constant 0 : index
        %get3A_337 = tpu.vector_load %arg8[%get3A_335, %get3A_336] {strides = array<i32>} : memref<26x16xf32, #tpu.memory_space<vmem>>, vector<1x16xf32>,
        %get3A_338 = vector.shape_cast %get3A_337 : vector<1x16xf32> to vector<16xf32>
        %select_n3A_339 = arith.select %lt3A_10, %get3A_338, %get3A_333 : vector<16xi1>, vector<16xf32>
        %swap3A_340 = arith.index_cast %add3A_329 : i32 to index
        %swap3A_341 = arith.constant 0 : index
        %swap3A_342 = tpu.vector_load %arg9[%swap3A_340, %swap3A_341] {strides = array<i32>} : memref<832x32xf32, #tpu.memory_space<vmem>>, vector<1x16xf32>,
        %swap3A_343 = vector.shape_cast %swap3A_342 : vector<1x16xf32> to vector<16xf32>
        %swap3A_344 = vector.shape_cast %select_n3A_339 : vector<16xf32> to vector<1x16xf32>
        tpu.vector_store %arg9[%swap3A_340, %swap3A_341], %swap3A_344 {strides = array<i32>} : memref<832x32xf32, #tpu.memory_space<vmem>>, vector<1x16xf32>,
        %mul3A_345 = arith.constant 26 : i32
        %mul3A_346 = arith.muli %scan3A_42, %mul3A_345 : i32
        %add3A_347 = arith.constant 16 : i32
        %add3A_348 = arith.addi %mul3A_346, %add3A_347 : i32
        %get3A_349 = arith.index_cast %add3A_348 : i32 to index
        %get3A_350 = arith.constant 0 : index
        %get3A_351 = tpu.vector_load %arg9[%get3A_349, %get3A_350] {strides = array<i32>} : memref<832x32xf32, #tpu.memory_space<vmem>>, vector<1x16xf32>,
        %get3A_352 = vector.shape_cast %get3A_351 : vector<1x16xf32> to vector<16xf32>
        %get3A_353 = arith.constant 16 : i32
        %get3A_354 = arith.index_cast %get3A_353 : i32 to index
        %get3A_355 = arith.constant 0 : index
        %get3A_356 = tpu.vector_load %arg8[%get3A_354, %get3A_355] {strides = array<i32>} : memref<26x16xf32, #tpu.memory_space<vmem>>, vector<1x16xf32>,
        %get3A_357 = vector.shape_cast %get3A_356 : vector<1x16xf32> to vector<16xf32>
        %select_n3A_358 = arith.select %lt3A_10, %get3A_357, %get3A_352 : vector<16xi1>, vector<16xf32>
        %swap3A_359 = arith.index_cast %add3A_348 : i32 to index
        %swap3A_360 = arith.constant 0 : index
        %swap3A_361 = tpu.vector_load %arg9[%swap3A_359, %swap3A_360] {strides = array<i32>} : memref<832x32xf32, #tpu.memory_space<vmem>>, vector<1x16xf32>,
        %swap3A_362 = vector.shape_cast %swap3A_361 : vector<1x16xf32> to vector<16xf32>
        %swap3A_363 = vector.shape_cast %select_n3A_358 : vector<16xf32> to vector<1x16xf32>
        tpu.vector_store %arg9[%swap3A_359, %swap3A_360], %swap3A_363 {strides = array<i32>} : memref<832x32xf32, #tpu.memory_space<vmem>>, vector<1x16xf32>,
        %mul3A_364 = arith.constant 26 : i32
        %mul3A_365 = arith.muli %scan3A_42, %mul3A_364 : i32
        %add3A_366 = arith.constant 17 : i32
        %add3A_367 = arith.addi %mul3A_365, %add3A_366 : i32
        %get3A_368 = arith.index_cast %add3A_367 : i32 to index
        %get3A_369 = arith.constant 0 : index
        %get3A_370 = tpu.vector_load %arg9[%get3A_368, %get3A_369] {strides = array<i32>} : memref<832x32xf32, #tpu.memory_space<vmem>>, vector<1x16xf32>,
        %get3A_371 = vector.shape_cast %get3A_370 : vector<1x16xf32> to vector<16xf32>
        %get3A_372 = arith.constant 17 : i32
        %get3A_373 = arith.index_cast %get3A_372 : i32 to index
        %get3A_374 = arith.constant 0 : index
        %get3A_375 = tpu.vector_load %arg8[%get3A_373, %get3A_374] {strides = array<i32>} : memref<26x16xf32, #tpu.memory_space<vmem>>, vector<1x16xf32>,
        %get3A_376 = vector.shape_cast %get3A_375 : vector<1x16xf32> to vector<16xf32>
        %select_n3A_377 = arith.select %lt3A_10, %get3A_376, %get3A_371 : vector<16xi1>, vector<16xf32>
        %swap3A_378 = arith.index_cast %add3A_367 : i32 to index
        %swap3A_379 = arith.constant 0 : index
        %swap3A_380 = tpu.vector_load %arg9[%swap3A_378, %swap3A_379] {strides = array<i32>} : memref<832x32xf32, #tpu.memory_space<vmem>>, vector<1x16xf32>,
        %swap3A_381 = vector.shape_cast %swap3A_380 : vector<1x16xf32> to vector<16xf32>
        %swap3A_382 = vector.shape_cast %select_n3A_377 : vector<16xf32> to vector<1x16xf32>
        tpu.vector_store %arg9[%swap3A_378, %swap3A_379], %swap3A_382 {strides = array<i32>} : memref<832x32xf32, #tpu.memory_space<vmem>>, vector<1x16xf32>,
        %mul3A_383 = arith.constant 26 : i32
        %mul3A_384 = arith.muli %scan3A_42, %mul3A_383 : i32
        %add3A_385 = arith.constant 18 : i32
        %add3A_386 = arith.addi %mul3A_384, %add3A_385 : i32
        %get3A_387 = arith.index_cast %add3A_386 : i32 to index
        %get3A_388 = arith.constant 0 : index
        %get3A_389 = tpu.vector_load %arg9[%get3A_387, %get3A_388] {strides = array<i32>} : memref<832x32xf32, #tpu.memory_space<vmem>>, vector<1x16xf32>,
        %get3A_390 = vector.shape_cast %get3A_389 : vector<1x16xf32> to vector<16xf32>
        %get3A_391 = arith.constant 18 : i32
        %get3A_392 = arith.index_cast %get3A_391 : i32 to index
        %get3A_393 = arith.constant 0 : index
        %get3A_394 = tpu.vector_load %arg8[%get3A_392, %get3A_393] {strides = array<i32>} : memref<26x16xf32, #tpu.memory_space<vmem>>, vector<1x16xf32>,
        %get3A_395 = vector.shape_cast %get3A_394 : vector<1x16xf32> to vector<16xf32>
        %select_n3A_396 = arith.select %lt3A_10, %get3A_395, %get3A_390 : vector<16xi1>, vector<16xf32>
        %swap3A_397 = arith.index_cast %add3A_386 : i32 to index
        %swap3A_398 = arith.constant 0 : index
        %swap3A_399 = tpu.vector_load %arg9[%swap3A_397, %swap3A_398] {strides = array<i32>} : memref<832x32xf32, #tpu.memory_space<vmem>>, vector<1x16xf32>,
        %swap3A_400 = vector.shape_cast %swap3A_399 : vector<1x16xf32> to vector<16xf32>
        %swap3A_401 = vector.shape_cast %select_n3A_396 : vector<16xf32> to vector<1x16xf32>
        tpu.vector_store %arg9[%swap3A_397, %swap3A_398], %swap3A_401 {strides = array<i32>} : memref<832x32xf32, #tpu.memory_space<vmem>>, vector<1x16xf32>,
        %mul3A_402 = arith.constant 26 : i32
        %mul3A_403 = arith.muli %scan3A_42, %mul3A_402 : i32
        %add3A_404 = arith.constant 19 : i32
        %add3A_405 = arith.addi %mul3A_403, %add3A_404 : i32
        %get3A_406 = arith.index_cast %add3A_405 : i32 to index
        %get3A_407 = arith.constant 0 : index
        %get3A_408 = tpu.vector_load %arg9[%get3A_406, %get3A_407] {strides = array<i32>} : memref<832x32xf32, #tpu.memory_space<vmem>>, vector<1x16xf32>,
        %get3A_409 = vector.shape_cast %get3A_408 : vector<1x16xf32> to vector<16xf32>
        %get3A_410 = arith.constant 19 : i32
        %get3A_411 = arith.index_cast %get3A_410 : i32 to index
        %get3A_412 = arith.constant 0 : index
        %get3A_413 = tpu.vector_load %arg8[%get3A_411, %get3A_412] {strides = array<i32>} : memref<26x16xf32, #tpu.memory_space<vmem>>, vector<1x16xf32>,
        %get3A_414 = vector.shape_cast %get3A_413 : vector<1x16xf32> to vector<16xf32>
        %select_n3A_415 = arith.select %lt3A_10, %get3A_414, %get3A_409 : vector<16xi1>, vector<16xf32>
        %swap3A_416 = arith.index_cast %add3A_405 : i32 to index
        %swap3A_417 = arith.constant 0 : index
        %swap3A_418 = tpu.vector_load %arg9[%swap3A_416, %swap3A_417] {strides = array<i32>} : memref<832x32xf32, #tpu.memory_space<vmem>>, vector<1x16xf32>,
        %swap3A_419 = vector.shape_cast %swap3A_418 : vector<1x16xf32> to vector<16xf32>
        %swap3A_420 = vector.shape_cast %select_n3A_415 : vector<16xf32> to vector<1x16xf32>
        tpu.vector_store %arg9[%swap3A_416, %swap3A_417], %swap3A_420 {strides = array<i32>} : memref<832x32xf32, #tpu.memory_space<vmem>>, vector<1x16xf32>,
        %mul3A_421 = arith.constant 26 : i32
        %mul3A_422 = arith.muli %scan3A_42, %mul3A_421 : i32
        %add3A_423 = arith.constant 20 : i32
        %add3A_424 = arith.addi %mul3A_422, %add3A_423 : i32
        %get3A_425 = arith.index_cast %add3A_424 : i32 to index
        %get3A_426 = arith.constant 0 : index
        %get3A_427 = tpu.vector_load %arg9[%get3A_425, %get3A_426] {strides = array<i32>} : memref<832x32xf32, #tpu.memory_space<vmem>>, vector<1x16xf32>,
        %get3A_428 = vector.shape_cast %get3A_427 : vector<1x16xf32> to vector<16xf32>
        %get3A_429 = arith.constant 20 : i32
        %get3A_430 = arith.index_cast %get3A_429 : i32 to index
        %get3A_431 = arith.constant 0 : index
        %get3A_432 = tpu.vector_load %arg8[%get3A_430, %get3A_431] {strides = array<i32>} : memref<26x16xf32, #tpu.memory_space<vmem>>, vector<1x16xf32>,
        %get3A_433 = vector.shape_cast %get3A_432 : vector<1x16xf32> to vector<16xf32>
        %select_n3A_434 = arith.select %lt3A_10, %get3A_433, %get3A_428 : vector<16xi1>, vector<16xf32>
        %swap3A_435 = arith.index_cast %add3A_424 : i32 to index
        %swap3A_436 = arith.constant 0 : index
        %swap3A_437 = tpu.vector_load %arg9[%swap3A_435, %swap3A_436] {strides = array<i32>} : memref<832x32xf32, #tpu.memory_space<vmem>>, vector<1x16xf32>,
        %swap3A_438 = vector.shape_cast %swap3A_437 : vector<1x16xf32> to vector<16xf32>
        %swap3A_439 = vector.shape_cast %select_n3A_434 : vector<16xf32> to vector<1x16xf32>
        tpu.vector_store %arg9[%swap3A_435, %swap3A_436], %swap3A_439 {strides = array<i32>} : memref<832x32xf32, #tpu.memory_space<vmem>>, vector<1x16xf32>,
        %mul3A_440 = arith.constant 26 : i32
        %mul3A_441 = arith.muli %scan3A_42, %mul3A_440 : i32
        %add3A_442 = arith.constant 21 : i32
        %add3A_443 = arith.addi %mul3A_441, %add3A_442 : i32
        %get3A_444 = arith.index_cast %add3A_443 : i32 to index
        %get3A_445 = arith.constant 0 : index
        %get3A_446 = tpu.vector_load %arg9[%get3A_444, %get3A_445] {strides = array<i32>} : memref<832x32xf32, #tpu.memory_space<vmem>>, vector<1x16xf32>,
        %get3A_447 = vector.shape_cast %get3A_446 : vector<1x16xf32> to vector<16xf32>
        %get3A_448 = arith.constant 21 : i32
        %get3A_449 = arith.index_cast %get3A_448 : i32 to index
        %get3A_450 = arith.constant 0 : index
        %get3A_451 = tpu.vector_load %arg8[%get3A_449, %get3A_450] {strides = array<i32>} : memref<26x16xf32, #tpu.memory_space<vmem>>, vector<1x16xf32>,
        %get3A_452 = vector.shape_cast %get3A_451 : vector<1x16xf32> to vector<16xf32>
        %select_n3A_453 = arith.select %lt3A_10, %get3A_452, %get3A_447 : vector<16xi1>, vector<16xf32>
        %swap3A_454 = arith.index_cast %add3A_443 : i32 to index
        %swap3A_455 = arith.constant 0 : index
        %swap3A_456 = tpu.vector_load %arg9[%swap3A_454, %swap3A_455] {strides = array<i32>} : memref<832x32xf32, #tpu.memory_space<vmem>>, vector<1x16xf32>,
        %swap3A_457 = vector.shape_cast %swap3A_456 : vector<1x16xf32> to vector<16xf32>
        %swap3A_458 = vector.shape_cast %select_n3A_453 : vector<16xf32> to vector<1x16xf32>
        tpu.vector_store %arg9[%swap3A_454, %swap3A_455], %swap3A_458 {strides = array<i32>} : memref<832x32xf32, #tpu.memory_space<vmem>>, vector<1x16xf32>,
        %mul3A_459 = arith.constant 26 : i32
        %mul3A_460 = arith.muli %scan3A_42, %mul3A_459 : i32
        %add3A_461 = arith.constant 22 : i32
        %add3A_462 = arith.addi %mul3A_460, %add3A_461 : i32
        %get3A_463 = arith.index_cast %add3A_462 : i32 to index
        %get3A_464 = arith.constant 0 : index
        %get3A_465 = tpu.vector_load %arg9[%get3A_463, %get3A_464] {strides = array<i32>} : memref<832x32xf32, #tpu.memory_space<vmem>>, vector<1x16xf32>,
        %get3A_466 = vector.shape_cast %get3A_465 : vector<1x16xf32> to vector<16xf32>
        %get3A_467 = arith.constant 22 : i32
        %get3A_468 = arith.index_cast %get3A_467 : i32 to index
        %get3A_469 = arith.constant 0 : index
        %get3A_470 = tpu.vector_load %arg8[%get3A_468, %get3A_469] {strides = array<i32>} : memref<26x16xf32, #tpu.memory_space<vmem>>, vector<1x16xf32>,
        %get3A_471 = vector.shape_cast %get3A_470 : vector<1x16xf32> to vector<16xf32>
        %select_n3A_472 = arith.select %lt3A_10, %get3A_471, %get3A_466 : vector<16xi1>, vector<16xf32>
        %swap3A_473 = arith.index_cast %add3A_462 : i32 to index
        %swap3A_474 = arith.constant 0 : index
        %swap3A_475 = tpu.vector_load %arg9[%swap3A_473, %swap3A_474] {strides = array<i32>} : memref<832x32xf32, #tpu.memory_space<vmem>>, vector<1x16xf32>,
        %swap3A_476 = vector.shape_cast %swap3A_475 : vector<1x16xf32> to vector<16xf32>
        %swap3A_477 = vector.shape_cast %select_n3A_472 : vector<16xf32> to vector<1x16xf32>
        tpu.vector_store %arg9[%swap3A_473, %swap3A_474], %swap3A_477 {strides = array<i32>} : memref<832x32xf32, #tpu.memory_space<vmem>>, vector<1x16xf32>,
        %mul3A_478 = arith.constant 26 : i32
        %mul3A_479 = arith.muli %scan3A_42, %mul3A_478 : i32
        %add3A_480 = arith.constant 23 : i32
        %add3A_481 = arith.addi %mul3A_479, %add3A_480 : i32
        %get3A_482 = arith.index_cast %add3A_481 : i32 to index
        %get3A_483 = arith.constant 0 : index
        %get3A_484 = tpu.vector_load %arg9[%get3A_482, %get3A_483] {strides = array<i32>} : memref<832x32xf32, #tpu.memory_space<vmem>>, vector<1x16xf32>,
        %get3A_485 = vector.shape_cast %get3A_484 : vector<1x16xf32> to vector<16xf32>
        %get3A_486 = arith.constant 23 : i32
        %get3A_487 = arith.index_cast %get3A_486 : i32 to index
        %get3A_488 = arith.constant 0 : index
        %get3A_489 = tpu.vector_load %arg8[%get3A_487, %get3A_488] {strides = array<i32>} : memref<26x16xf32, #tpu.memory_space<vmem>>, vector<1x16xf32>,
        %get3A_490 = vector.shape_cast %get3A_489 : vector<1x16xf32> to vector<16xf32>
        %select_n3A_491 = arith.select %lt3A_10, %get3A_490, %get3A_485 : vector<16xi1>, vector<16xf32>
        %swap3A_492 = arith.index_cast %add3A_481 : i32 to index
        %swap3A_493 = arith.constant 0 : index
        %swap3A_494 = tpu.vector_load %arg9[%swap3A_492, %swap3A_493] {strides = array<i32>} : memref<832x32xf32, #tpu.memory_space<vmem>>, vector<1x16xf32>,
        %swap3A_495 = vector.shape_cast %swap3A_494 : vector<1x16xf32> to vector<16xf32>
        %swap3A_496 = vector.shape_cast %select_n3A_491 : vector<16xf32> to vector<1x16xf32>
        tpu.vector_store %arg9[%swap3A_492, %swap3A_493], %swap3A_496 {strides = array<i32>} : memref<832x32xf32, #tpu.memory_space<vmem>>, vector<1x16xf32>,
        %mul3A_497 = arith.constant 26 : i32
        %mul3A_498 = arith.muli %scan3A_42, %mul3A_497 : i32
        %add3A_499 = arith.constant 24 : i32
        %add3A_500 = arith.addi %mul3A_498, %add3A_499 : i32
        %get3A_501 = arith.index_cast %add3A_500 : i32 to index
        %get3A_502 = arith.constant 0 : index
        %get3A_503 = tpu.vector_load %arg9[%get3A_501, %get3A_502] {strides = array<i32>} : memref<832x32xf32, #tpu.memory_space<vmem>>, vector<1x16xf32>,
        %get3A_504 = vector.shape_cast %get3A_503 : vector<1x16xf32> to vector<16xf32>
        %get3A_505 = arith.constant 24 : i32
        %get3A_506 = arith.index_cast %get3A_505 : i32 to index
        %get3A_507 = arith.constant 0 : index
        %get3A_508 = tpu.vector_load %arg8[%get3A_506, %get3A_507] {strides = array<i32>} : memref<26x16xf32, #tpu.memory_space<vmem>>, vector<1x16xf32>,
        %get3A_509 = vector.shape_cast %get3A_508 : vector<1x16xf32> to vector<16xf32>
        %select_n3A_510 = arith.select %lt3A_10, %get3A_509, %get3A_504 : vector<16xi1>, vector<16xf32>
        %swap3A_511 = arith.index_cast %add3A_500 : i32 to index
        %swap3A_512 = arith.constant 0 : index
        %swap3A_513 = tpu.vector_load %arg9[%swap3A_511, %swap3A_512] {strides = array<i32>} : memref<832x32xf32, #tpu.memory_space<vmem>>, vector<1x16xf32>,
        %swap3A_514 = vector.shape_cast %swap3A_513 : vector<1x16xf32> to vector<16xf32>
        %swap3A_515 = vector.shape_cast %select_n3A_510 : vector<16xf32> to vector<1x16xf32>
        tpu.vector_store %arg9[%swap3A_511, %swap3A_512], %swap3A_515 {strides = array<i32>} : memref<832x32xf32, #tpu.memory_space<vmem>>, vector<1x16xf32>,
        %mul3A_516 = arith.constant 26 : i32
        %mul3A_517 = arith.muli %scan3A_42, %mul3A_516 : i32
        %add3A_518 = arith.constant 25 : i32
        %add3A_519 = arith.addi %mul3A_517, %add3A_518 : i32
        %get3A_520 = arith.index_cast %add3A_519 : i32 to index
        %get3A_521 = arith.constant 0 : index
        %get3A_522 = tpu.vector_load %arg9[%get3A_520, %get3A_521] {strides = array<i32>} : memref<832x32xf32, #tpu.memory_space<vmem>>, vector<1x16xf32>,
        %get3A_523 = vector.shape_cast %get3A_522 : vector<1x16xf32> to vector<16xf32>
        %get3A_524 = arith.constant 25 : i32
        %get3A_525 = arith.index_cast %get3A_524 : i32 to index
        %get3A_526 = arith.constant 0 : index
        %get3A_527 = tpu.vector_load %arg8[%get3A_525, %get3A_526] {strides = array<i32>} : memref<26x16xf32, #tpu.memory_space<vmem>>, vector<1x16xf32>,
        %get3A_528 = vector.shape_cast %get3A_527 : vector<1x16xf32> to vector<16xf32>
        %select_n3A_529 = arith.select %lt3A_10, %get3A_528, %get3A_523 : vector<16xi1>, vector<16xf32>
        %swap3A_530 = arith.index_cast %add3A_519 : i32 to index
        %swap3A_531 = arith.constant 0 : index
        %swap3A_532 = tpu.vector_load %arg9[%swap3A_530, %swap3A_531] {strides = array<i32>} : memref<832x32xf32, #tpu.memory_space<vmem>>, vector<1x16xf32>,
        %swap3A_533 = vector.shape_cast %swap3A_532 : vector<1x16xf32> to vector<16xf32>
        %swap3A_534 = vector.shape_cast %select_n3A_529 : vector<16xf32> to vector<1x16xf32>
        tpu.vector_store %arg9[%swap3A_530, %swap3A_531], %swap3A_534 {strides = array<i32>} : memref<832x32xf32, #tpu.memory_space<vmem>>, vector<1x16xf32>,
        %scan3A_535 = arith.constant 0 : i32
        scf.yield %scan3A_535 : i32
      }
      %scan3A_40 = arith.constant 32 : i32
      "tpu.region"() ({
        %run_scoped3A = tpu.sem_alloc : memref<!tpu.dma_semaphore, #tpu.memory_space<semaphore_mem>>
        %dma_start3A_42 = arith.constant 0 : i32
        %dma_start3A_43 = tpu.memref_slice %arg5[%add3A_22, %dma_start3A_42] : memref<425984x32xf32, #tpu.memory_space<hbm>> -> memref<832x32xf32, #tpu.memory_space<hbm>>
        %dma_start3A_44 = arith.constant 0 : i32
        %dma_start3A_45 = tpu.memref_slice %arg5[%add3A_22, %dma_start3A_44] : memref<425984x32xf32, #tpu.memory_space<hbm>> -> memref<832x32xf32, #tpu.memory_space<hbm>>
        tpu.enqueue_dma source(%arg9 : memref<832x32xf32, #tpu.memory_space<vmem>>) target(%dma_start3A_45 : memref<832x32xf32, #tpu.memory_space<hbm>>) target_semaphore(%run_scoped3A : memref<!tpu.dma_semaphore, #tpu.memory_space<semaphore_mem>>)
        %dma_wait3A_46 = arith.constant 0 : i32
        %dma_wait3A_47 = tpu.memref_slice %arg5[%add3A_22, %dma_wait3A_46] : memref<425984x32xf32, #tpu.memory_space<hbm>> -> memref<832x32xf32, #tpu.memory_space<hbm>>
        %dma_wait3A_48 = arith.constant 0 : i32
        %dma_wait3A_49 = tpu.memref_slice %arg5[%add3A_22, %dma_wait3A_48] : memref<425984x32xf32, #tpu.memory_space<hbm>> -> memref<832x32xf32, #tpu.memory_space<hbm>>
        tpu.wait_dma2 semaphore(%run_scoped3A : memref<!tpu.dma_semaphore, #tpu.memory_space<semaphore_mem>>) src(%arg9 : memref<832x32xf32, #tpu.memory_space<vmem>>) dst(%dma_wait3A_49 : memref<832x32xf32, #tpu.memory_space<hbm>>)
        tpu.yield
      }) : () -> ()
      %scan3A_41 = arith.constant 0 : i32
      scf.yield %scan3A_41 : i32
    }
    %scan3A_17 = arith.constant 16 : i32
    return
  }
}

</mosaic_0001>

<sc_bundles>
// kernel: kernel.3.cloned.1.call-start
scs
__scs_entry_jumppad:
0x0: {  	(pc) =	sbr.rel $0x88, $3  }
0x1: {  	(tag) =	ssettag $0x0;
	lr =	simm.s32 $0x1  }
0x2: {  	[smem:$0x3F9E] =	sst lr;
	_ =	strace $0xD0000000  }
0x3: {  	_ = 	snop  }
0x4: {  	_ = 	snop  }
0x5: {  	_ = 	snop  }
0x6: {  	_ = 	snop  }
0x7: {  	_ = 	snop  }
__scs_overlays_trampoline_lowered:
0x8: {  	[smem:$0x3FAD] =	sst s0  }
0x9: {  	[smem:$0x3FAE] =	sst s1  }
0xa: {  	[smem:$0x3FAF] =	sst s2  }
0xb: {  	[smem:$0x3FB0] =	sst s3  }
0xc: {  	[smem:$0x3FB1] =	sst s4  }
0xd: {  	[smem:$0x3FB2] =	sst s5  }
0xe: {  	[smem:$0x3FB3] =	sst s6  }
0xf: {  	[smem:$0x3FB4] =	sst s7  }
0x10: {  	[smem:$0x3FB5] =	sst s8  }
0x11: {  	[smem:$0x3FB6] =	sst s9;
	s0 =	simm.s32 @!p0 $0x0  }
0x12: {  	s1 =	sld [smem:$0x3F9C];
	s0 =	simm.s32 @p0 $0x1  }
0x13: {  	[smem:$0x3FB7] =	sst s0;
	s0 =	simm.s32 @!p1 $0x0  }
0x14: {  	s2 =	sld [smem:$0x3F9B];
	s0 =	simm.s32 @p1 $0x1  }
0x15: {  	[smem:$0x3FB8] =	sst s0;
	s0 =	simm.s32 @!p2 $0x0  }
0x16: {  	s3 =	sld [smem:$0x3FDB];
	s0 =	simm.s32 @p2 $0x1  }
0x17: {  	s4 =	simm.s32 $0x1BF5;
	[smem:$0x3FBA] =	sst s0  }
0x18: {  	s0 =	sld [smem:$0x3F9D];
	_ =	swait.ge [sflag:s4], $0x0  }
0x19: {  	s7 =	sld [smem:$0x3F9E]  }
0x1a: {  	s8 =	sadd.s32 $0xFFFFE003, lr  }
0x1b: {  	s9 =	sadd.s32 $0xFFFFFEF7, lr;
	s5 =	simm.s32 $0xFFFFFFFF;
	p2 =	slt.u32 s8, $0xFFFFF086  }
0x1c: {  	p1 =	slt.u32 s9, $0xF7A;
	s5 =	simm.s32 @!p2 $0x0  }
0x1d: {  	s5 =	simm.s32 @p1 $0x1;
	p0 =	seq.s32 s7, s2  }
0x1e: {  	s7 =	smul.u32 @!p0 $0xF7A, s2;
	p2 =	seq.s32 @!p0 s5, $0x0  }
0x1f: {  	s9 =	smul.u32 $0xF7A, s1;
	s8 =	simm.s32 @!p0 $0x1BF5;
	p2 =	por !p2, p0  }
0x20: {  	[sflag:s8] =	ssyncset.s32 @!p0 $0xFFFFF086;
	s6 =	sadd.s32 @!p0 s3, s7;
	s7 =	simm.s32 @!p0 $0x108  }
0x21: {  	s3 =	sadd.s32 s3, s9;
	s6 =	sadd.s32 @!p0 $0x88, s6;
	s7 =	simm.s32 @p2 $0x1082  }
0x22: {  	[simem:s7], [sflag:s8] =	dma.local @!p0 [hbm:s6], $0xF7A  }
0x23: {  	s9 =	sor.u32 $0xD0000000, s2;
	s6 =	simm.s32 $0x108;
	_ =	swait.ge @!p0 [sflag:s8], $0x0  }
0x24: {  	s3 =	sadd.s32 $0x88, s3;
	s6 =	simm.s32 @!p1 $0x1082;
	[sflag:s4] =	ssyncset.s32 $0xFFFFF086  }
0x25: {  	[simem:s6], [sflag:s4] =	dma.local [hbm:s3], $0xF7A  }
0x26: {  	[smem:$0x3F9E] =	sst s1;
	(tag) =	ssettag s2;
	_ =	strace s9  }
0x27: {  	s1 =	sld [smem:$0x3FAE]  }
0x28: {  	s2 =	sld [smem:$0x3FAF]  }
0x29: {  	s4 =	sld [smem:$0x3FB1]  }
0x2a: {  	p0 =	seq.s32 s5, $0x0;
	s5 =	sld [smem:$0x3FB2]  }
0x2b: {  	s6 =	sld [smem:$0x3FB3]  }
0x2c: {  	s7 =	sld [smem:$0x3FB4]  }
0x2d: {  	s3 =	simm.s32 $0x108;
	s8 =	sld [smem:$0x3FB5]  }
0x2e: {  	s3 =	simm.s32 @!p0 $0x1082;
	s9 =	sld [smem:$0x3FB6]  }
0x2f: {  	lr =	sadd.s32 s0, s3;
	s0 =	sld [smem:$0x3FAD]  }
0x30: {  	s3 =	sld [smem:$0x3FB0]  }
0x31: {  	[smem:$0x3FB9] =	sst s10  }
0x32: {  	s10 =	sld [smem:$0x3FB7];
	_ =	sdelay $0x3  }
0x33: {  	p0 =	seq.s32 s10, $0x1;
	s10 =	sld [smem:$0x3FB9];
	_ =	sdelay $0x3  }
0x34: {  	[smem:$0x3FB9] =	sst s10  }
0x35: {  	s10 =	sld [smem:$0x3FB8];
	_ =	sdelay $0x3  }
0x36: {  	p1 =	seq.s32 s10, $0x1;
	s10 =	sld [smem:$0x3FB9];
	_ =	sdelay $0x3  }
0x37: {  	[smem:$0x3FB9] =	sst s10  }
0x38: {  	s10 =	sld [smem:$0x3FBA]  }
0x39: {  	_ = 	snop;
	(pc) =	sbr.ind lr, $3  }
0x3a: {  	_ = 	snop  }
0x3b: {  	_ = 	snop  }
0x3c: {  	p2 =	seq.s32 s10, $0x1;
	s10 =	sld [smem:$0x3FB9]  }
0x3d: {  	_ =	shalt  }
0x3e: {  	_ =	shalt  }
0x3f: {  	_ =	shalt  }
0x40: {  	_ =	shalt  }
0x41: {  	_ =	shalt  }
0x42: {  	_ =	shalt  }
0x43: {  	_ =	shalt  }
0x44: {  	_ =	shalt  }
0x45: {  	_ =	shalt  }
0x46: {  	_ =	shalt  }
0x47: {  	_ =	shalt  }
0x48: {  	_ =	shalt  }
0x49: {  	_ =	shalt  }
0x4a: {  	_ =	shalt  }
0x4b: {  	_ =	shalt  }
0x4c: {  	_ =	shalt  }
0x4d: {  	_ =	shalt  }
0x4e: {  	_ =	shalt  }
0x4f: {  	_ =	shalt  }
0x50: {  	_ =	shalt  }
0x51: {  	_ =	shalt  }
0x52: {  	_ =	shalt  }
0x53: {  	_ =	shalt  }
0x54: {  	_ =	shalt  }
0x55: {  	_ =	shalt  }
0x56: {  	_ =	shalt  }
0x57: {  	_ =	shalt  }
0x58: {  	_ =	shalt  }
0x59: {  	_ =	shalt  }
0x5a: {  	_ =	shalt  }
0x5b: {  	_ =	shalt  }
0x5c: {  	_ =	shalt  }
0x5d: {  	_ =	shalt  }
0x5e: {  	_ =	shalt  }
0x5f: {  	_ =	shalt  }
0x60: {  	_ =	shalt  }
0x61: {  	_ =	shalt  }
0x62: {  	_ =	shalt  }
0x63: {  	_ =	shalt  }
0x64: {  	_ =	shalt  }
0x65: {  	_ =	shalt  }
0x66: {  	_ =	shalt  }
0x67: {  	_ =	shalt  }
0x68: {  	_ =	shalt  }
0x69: {  	_ =	shalt  }
0x6a: {  	_ =	shalt  }
0x6b: {  	_ =	shalt  }
0x6c: {  	_ =	shalt  }
0x6d: {  	_ =	shalt  }
0x6e: {  	_ =	shalt  }
0x6f: {  	_ =	shalt  }
0x70: {  	_ =	shalt  }
0x71: {  	_ =	shalt  }
0x72: {  	_ =	shalt  }
0x73: {  	_ =	shalt  }
0x74: {  	_ =	shalt  }
0x75: {  	_ =	shalt  }
0x76: {  	_ =	shalt  }
0x77: {  	_ =	shalt  }
0x78: {  	_ =	shalt  }
0x79: {  	_ =	shalt  }
0x7a: {  	_ =	shalt  }
0x7b: {  	_ =	shalt  }
0x7c: {  	_ =	shalt  }
0x7d: {  	_ =	shalt  }
0x7e: {  	_ =	shalt  }
0x7f: {  	_ =	shalt  }
0x80: {  	_ =	shalt  }
0x81: {  	_ =	shalt  }
0x82: {  	_ =	shalt  }
0x83: {  	_ =	shalt  }
0x84: {  	_ =	shalt  }
0x85: {  	_ =	shalt  }
0x86: {  	_ =	shalt  }
0x87: {  	_ =	shalt  }
.Lfunc_end0:
.L_simem_size_0:
called_computation.3_lowered:
.L_overlay_start_0:
0x88: {  	s2 =	sld [smem:$0x3FD9]  }
0x89: {  	s3 =	sld [smem:$0x3FFE];
	_ =	sdelay $0x1  }
0x8a: {  	s1 =	srdreg.scid  }
0x8b: {  	s0 =	sand.u32 $0x1, s1  }
0x8c: {  	s17 =	sshll.u32 s0, $0xA;
	s2 =	sadd.s32 s3, s2  }
0x8d: {  	s2 =	sadd.s32 s2, s17  }
0x8e: {  	[smem:$0x3FC5] =	sst s2  }
0x8f: {  	_ = 	snop  }
0x90: {  	s2 =	sld [smem:$0x3FD0];
	(tm) =	ssettm $0x1  }
0x91: {  	s18 =	sld [smem:$0x3FFB];
	_ =	sdelay $0x3  }
0x92: {  	_ =	strace s18  }
0x93: {  	s3 =	sld [smem:$0x3FFC];
	_ =	sdelay $0x3  }
0x94: {  	_ =	strace s3  }
0x95: {  	s3 =	sld [smem:$0x3FFD];
	_ =	sdelay $0x3  }
0x96: {  	_ =	strace s3  }
0x97: {  	_ =	strace $0x8FFFFFFF  }
0x98: {  	s19 =	sld [smem:$0x3FDB];
	_ =	sdelay $0x1  }
0x99: {  	s4 =	simm.s32 $_scs_section_size  }
0x9a: {  	s5 =	simm.s32 $_size__tile_overlayer_lowered;
	s6 =	simm.s32 $_tile_overlayer_lowered  }
0x9b: {  	s22 =	simm.s32 $0x1BFF;
	s21 =	sshll.u32 s6, $0x1;
	s3 =	sadd.s32 s4, s19  }
0x9c: {  	s7 =	simm.s32 $0x0;
	s20 =	sshll.u32 s5, $0x1;
	s5 =	sadd.s32 s21, s3  }
0x9d: {  	[timem:s7], [sflag:s22] =	dma.local [hbm:s5], s20  }
0x9e: {  	_ =	swait.ge [sflag:s22], s20  }
0x9f: {  	s4 =	ssub.s32 $0x0, s20;
	[sflag:s22] =	ssyncset.done $0x0  }
0xa0: {  	[sflag:s22] =	ssyncadd.s32 s4;
	_ =	sdelay $0x1  }
0xa1: {  	s23 =	simm.s32 $0x1B8B  }
0xa2: {  	_ =	swait.ge [sflag:s23], $0x1  }
0xa3: {  	[sflag:s23] =	ssyncset.done $0x0  }
0xa4: {  	s25 =	simm.s32 $0x1B8E;
	s24 =	sld [smem:$0x3FFE];
	[sflag:s23] =	ssyncadd.s32 $0xFFFFFFFF  }
0xa5: {  	s26 =	simm.s32 $execute0_lowered;
	[smem:$0x3FD2] =	sst s25  }
0xa6: {  	s5 =	sshll.u32 s26, $0x1;
	_ =	strace $0x8000004C;
	[dreg:$0x1] =	wrdreg $0xFFFFFFFF  }
0xa7: {  	s28 =	simm.s32 $_size_execute0_lowered;
	s3 =	sadd.s32 s3, s5;
	[dreg:$0x0] =	wrdreg $0x0  }
0xa8: {  	s5 =	sshll.u32 s28, $0x1;
	[dreg:$0x2] =	wrdreg s3  }
0xa9: {  	[dreg:$0x3] =	wrdreg s5  }
0xaa: {  	[dreg:$0x4] =	wrdreg $0xC0  }
0xab: {  	_ =	task [dreg:s7], $0x5FFFF  }
0xac: {  	[dreg:$0x1] =	wrdreg $0xFFFFFFFF  }
0xad: {  	[dreg:$0x0] =	wrdreg $0x60  }
0xae: {  	[dreg:$0x2] =	wrdreg s24  }
0xaf: {  	[dreg:$0x3] =	wrdreg s2  }
0xb0: {  	[dreg:$0x4] =	wrdreg $0x9  }
0xb1: {  	_ =	task.clear_ibuf [dreg:s7], $0x5FFFF;
	_ =	strace $0x9000004C  }
0xb2: {  	s29 =	simm.s32 $0x9;
	_ =	strace $0x8000004E  }
0xb3: {  	_ =	swait.ge [sflag:s29], $0x1  }
0xb4: {  	[sflag:s29] =	ssyncadd.s32 $0xFFFFFFFF  }
0xb5: {  	_ =	strace $0x9000004E  }
0xb6: {  	_ =	sfence  }
0xb7: {  	s30 =	sld [smem:$0x0];
	_ =	sdelay $0x2  }
0xb8: {  	s31 =	sshll.u32 s1, $0xD;
	s1 =	sshrl.u32 s1, $0x2  }
0xb9: {  	s3 =	sand.u32 $0x4000, s31;
	s1 =	sadd.s32 s1, s30  }
0xba: {  	s0 =	sor.u32 s3, s0;
	s1 =	sshll.u32 s1, $0x11  }
0xbb: {  	s0 =	sor.u32 s1, s0  }
0xbc: {  	s0 =	sadd.s32 $0x8F2B, s0  }
0xbd: {  	[sflag:s0] =	ssyncadd.remote.s32 $0x1  }
0xbe: {  	_ =	sfence.sel $0xFFFF  }
0xbf: {  	[dreg:$0x0] =	wrdreg $0xFFFFFFFF;
	(pc) =	sbr.abs _section_cstart, $3  }
0xc0: {  	[dreg:$0x1] =	wrdreg $0xFFFFFFFF  }
0xc1: {  	_ =	task.clear_ibuf [dreg:s7], $0x2FFFF;
	_ =	strace $0x9FFFFFFF  }
0xc2: {  	(tm) =	ssettm $0x7FFFFFFF  }
0xc3: {  	_ =	shalt  }
tec
execute0_lowered:
.L_overlay_start_1:
0x0: {  	(tag) =	ssettag $0x1  }
0x1: {  	s6 =	rddreg [dreg:$0x0]  }
0x2: {  	s1 =	rddreg [dreg:$0x1]  }
0x3: {  	s0 =	rddreg [dreg:$0x2];
	s2 =	simm.s32 $0x0  }
0x4: {  	s3 =	srdreg.scid;
	s11 =	simm.s32 $0x340;
	s12 =	simm.s32 $0x820  }
0x5: {  	s13 =	simm.s32 $0x1;
	s14 =	simm.s32 $0x0;
	[smem:$0x7FF] =	sst s2  }
0x6: {  	s7 =	sand.u32 $0x1, s3;
	s3 =	stileid.u32;
	s4 =	sadd.s32 $0x2E00, s6  }
0x7: {  	s5 =	sadd.s32 $0x10000, s6;
	s6 =	sadd.s32 $0xFE00, s6;
	s8 =	ssub.s32 $0x2, s7  }
0x8: {  	_ =	strace $0x8000004D;
	s10 =	sshll.u32 s3, $0x1;
	s9 =	sshrl.u32 s8, $0x1  }
0x9: {  	s7 =	sor.u32 s7, s10;
	s10 =	simm.s32 $0x2;
	s8 =	ssub.s32 s8, s9  }
0xa: {  	v0 =	vlaneseq.u32;
	vm0 =	vmmov $0xf;
	s7 =	smul.u32 $0x3400, s7;
	s9 =	simm.s32 $0x680;
	s8 =	smax.u32 s8, $0x1  }
.LBB2_1:
0xb: {  	v1 =	vor.u32 s2, v0;
	s15 =	simm.s32 $0x30  }
0xc: {  	s16 =	simm.s32 $0x10;
	v2 =	vmulhi.u32 $0x4EC4EC4F, v1;
	v3 =	vor.u32 s15, v0  }
0xd: {  	s30 =	simm.s32 $0x70;
	v4 =	vor.u32 s16, v0;
	v5 =	vmulhi.u32 $0x4EC4EC4F, v3  }
0xe: {  	s26 =	simm.s32 $0x20;
	v10 =	vor.u32 s30, v0;
	v7 =	vmulhi.u32 $0x4EC4EC4F, v4  }
0xf: {  	v6 =	vor.u32 s26, v0;
	v11 =	vmulhi.u32 $0x4EC4EC4F, v10;
	v2 =	vshrl.u32 v2, $0x3  }
0x10: {  	v8 =	vmulhi.u32 $0x4EC4EC4F, v6;
	v2 =	vmul.u32 $0x1A, v2;
	v5 =	vshrl.u32 v5, $0x3  }
0x11: {  	v7 =	vshrl.u32 v7, $0x3;
	v11 =	vshrl.u32 v11, $0x3;
	v5 =	vmul.u32 $0x1A, v5  }
0x12: {  	s28 =	simm.s32 $0x40;
	v1 =	vsub.s32 v1, v2;
	v2 =	vmul.u32 $0x1A, v7;
	v7 =	vshrl.u32 v8, $0x3  }
0x13: {  	[tilespmem:s9], [sflag:$0x2] =	stream.linear.gather [hbm4b:s6+s2], $0x1A0, $0x38;
	v8 =	vmul.u32 $0x186A1, v1;
	v1 =	vsub.s32 v3, v5;
	v3 =	vor.u32 s28, v0;
	[tilespmem:$0x7020] =	vst v63  }
0x14: {  	s29 =	simm.s32 $0x50;
	s31 =	simm.s32 $0x60;
	_ =	swait.ge [sflag:s10], $0x1A0;
	v7 =	vmul.u32 $0x1A, v7;
	v4 =	vsub.s32 v4, v2;
	v9 =	vmulhi.u32 $0x4EC4EC4F, v3  }
0x15: {  	[sflag:s10] =	ssyncset.done $0x0;
	v5 =	vmul.u32 $0x186A1, v1;
	v2 =	vor.u32 s29, v0;
	v1 =	vor.u32 s31, v0  }
0x16: {  	s15 =	simm.s32 $0x360;
	[sflag:s10] =	ssyncadd.s32 $0xFFFFFE60;
	v6 =	vsub.s32 v6, v7;
	v61 =	vmulhi.u32 $0x4EC4EC4F, v2;
	v7 =	vshrl.u32 v9, $0x3  }
0x17: {  	v4 =	vmul.u32 $0x186A1, v4;
	[tilespmem:s15+$0x10] =	vst v5;
	v5 =	vmul.u32 $0x1A, v7;
	v7 =	vmulhi.u32 $0x4EC4EC4F, v1  }
0x18: {  	v62 =	vmul.u32 $0x1A, v11;
	[tilespmem:s15+$0xFFFFFFE0] =	vst v8;
	v63 =	vmul.u32 $0x186A1, v6;
	v8 =	vshrl.u32 v61, $0x3  }
0x19: {  	[tilespmem:s15+$0xFFFFFFF0] =	vst v4;
	v3 =	vsub.s32 v3, v5;
	v5 =	vmul.u32 $0x1A, v8;
	v4 =	vshrl.u32 v7, $0x3  }
0x1a: {  	s17 =	simm.s32 $0x80;
	s16 =	simm.s32 $0x4;
	v6 =	vsub.s32 v10, v62;
	[tilespmem:s15+$0x0] =	vst v63;
	v3 =	vmul.u32 $0x186A1, v3;
	v4 =	vmul.u32 $0x1A, v4  }
.LBB2_2:
0x1b: {  	v7 =	vor.u32 s17, v0;
	s18 =	sadd.s32 $0x10, s17;
	s19 =	sadd.s32 $0x30, s17;
	s16 =	sadd.s32 $0x4, s16;
	v5 =	vsub.s32 v2, v5;
	v6 =	vmul.u32 $0x186A1, v6  }
0x1c: {  	s15 =	sadd.s32 $0x40, s15;
	v8 =	vmulhi.u32 $0x4EC4EC4F, v7;
	v2 =	vor.u32 s18, v0;
	s18 =	sadd.s32 $0x20, s17;
	v9 =	vor.u32 s19, v0;
	p0 =	slt.u32 s16, $0x30  }
0x1d: {  	v4 =	vsub.s32 v1, v4;
	v10 =	vmulhi.u32 $0x4EC4EC4F, v9;
	v1 =	vor.u32 s18, v0;
	[tilespmem:s15+$0x10] =	vst v6  }
.Ltmp0:
0x1e: {  	v6 =	vshrl.u32 v8, $0x3;
	v8 =	vmulhi.u32 $0x4EC4EC4F, v2;
	[tilespmem:s15+$0xFFFFFFE0] =	vst v3;
	v3 =	vmul.u32 $0x186A1, v5;
	(pc) =	sbr.rel @p0 .LBB2_2-.Ltmp0, $4  }
0x1f: {  	v5 =	vmul.u32 $0x1A, v6;
	v6 =	vmulhi.u32 $0x4EC4EC4F, v1;
	v10 =	vshrl.u32 v10, $0x3  }
0x20: {  	v11 =	vmul.u32 $0x186A1, v4;
	v8 =	vshrl.u32 v8, $0x3;
	v10 =	vmul.u32 $0x1A, v10;
	[tilespmem:s15+$0xFFFFFFF0] =	vst v3  }
0x21: {  	v3 =	vsub.s32 v7, v5;
	v5 =	vmul.u32 $0x1A, v8;
	v4 =	vshrl.u32 v6, $0x3  }
0x22: {  	s17 =	sadd.s32 $0x40, s17;
	v3 =	vmul.u32 $0x186A1, v3;
	v4 =	vmul.u32 $0x1A, v4;
	v6 =	vsub.s32 v9, v10;
	[tilespmem:s15+$0x0] =	vst v11  }
0x23: {  	v6 =	vmul.u32 $0x186A1, v6;
	v2 =	vsub.s32 v2, v5;
	s16 =	sadd.s32 $0x40, s15  }
0x24: {  	v1 =	vsub.s32 v1, v4;
	v2 =	vmul.u32 $0x186A1, v2;
	[tilespmem:s16+$0xFFFFFFE0] =	vst v3  }
0x25: {  	[tilespmem:s16+$0x10] =	vst v6;
	v1 =	vmul.u32 $0x186A1, v1  }
0x26: {  	[tilespmem:s16+$0xFFFFFFF0] =	vst v2  }
0x27: {  	s15 =	simm.s32 $0x0;
	[tilespmem:s16+$0x0] =	vst v1  }
.LBB2_4:
0x28: {  	s16 =	smul.u32 $0x340, s15;
	_ =	sdelay $0x1  }
0x29: {  	s16 =	sadd.s32 s7, s16  }
0x2a: {  	s17 =	sshrl.u32 s16, $0x3  }
0x2b: {  	s17 =	sadd.s32 s4, s17  }
0x2c: {  	[tilespmem:s2], [sflag:$0x2] =	stream.linear.gather [hbm4b:s17+s2], $0x340, $0x38;
	[tilespmem:$0x7020] =	vst v63  }
0x2d: {  	_ =	swait.ge [sflag:s10], $0x340  }
0x2e: {  	[sflag:s10] =	ssyncset.done $0x0  }
0x2f: {  	s17 =	simm.s32 $0x20;
	[sflag:s10] =	ssyncadd.s32 $0xFFFFFCC0  }
0x30: {  	s18 =	simm.s32 $0x360;
	v1 =	vld [tilespmem:s17+$0xFFFFFFE0]  }
0x31: {  	v2 =	vld [tilespmem:s18+$0xFFFFFFE0];
	_ =	sdelay $0x4  }
0x32: {  	v1 =	vadd.s32 v1, v2  }
0x33: {  	[tilespmem:s17+$0xFFFFFFE0] =	vst v1;
	v1 =	vld [tilespmem:s17+$0xFFFFFFF0]  }
0x34: {  	v2 =	vld [tilespmem:s18+$0xFFFFFFF0];
	_ =	sdelay $0x4  }
0x35: {  	v1 =	vadd.s32 v1, v2  }
0x36: {  	[tilespmem:s17+$0xFFFFFFF0] =	vst v1;
	v1 =	vld [tilespmem:s17+$0x0]  }
0x37: {  	v2 =	vld [tilespmem:s18+$0x0];
	_ =	sdelay $0x4  }
0x38: {  	v1 =	vadd.s32 v1, v2  }
0x39: {  	[tilespmem:s17+$0x0] =	vst v1;
	v1 =	vld [tilespmem:s17+$0x10]  }
0x3a: {  	v2 =	vld [tilespmem:s18+$0x10];
	_ =	sdelay $0x4  }
0x3b: {  	s19 =	simm.s32 $0x0;
	s20 =	simm.s32 $0x60;
	v1 =	vadd.s32 v1, v2  }
.LBB2_5:
0x3c: {  	v2 =	vld [tilespmem:s20+$0xFFFFFFE0];
	[tilespmem:s17+$0x10] =	vst v1;
	s18 =	sadd.s32 $0x40, s18;
	s17 =	smov.u32 s20  }
0x3d: {  	s19 =	sadd.s32 $0x4, s19;
	v1 =	vld [tilespmem:s18+$0xFFFFFFE0]  }
0x3e: {  	p0 =	slt.u32 s19, $0x30;
	_ =	sdelay $0x3  }
0x3f: {  	v1 =	vadd.s32 v2, v1  }
0x40: {  	[tilespmem:s20+$0xFFFFFFE0] =	vst v1;
	v1 =	vld [tilespmem:s20+$0xFFFFFFF0]  }
0x41: {  	v2 =	vld [tilespmem:s18+$0xFFFFFFF0];
	_ =	sdelay $0x4  }
0x42: {  	v1 =	vadd.s32 v1, v2  }
0x43: {  	[tilespmem:s20+$0xFFFFFFF0] =	vst v1;
	v1 =	vld [tilespmem:s20+$0x0]  }
0x44: {  	v2 =	vld [tilespmem:s18+$0x0];
	_ =	sdelay $0x4  }
0x45: {  	v1 =	vadd.s32 v1, v2  }
0x46: {  	[tilespmem:s20+$0x0] =	vst v1;
	v1 =	vld [tilespmem:s20+$0x10]  }
0x47: {  	v2 =	vld [tilespmem:s18+$0x10]  }
.Ltmp1:
0x48: {  	(pc) =	sbr.rel @p0 .LBB2_5-.Ltmp1, $2  }
0x49: {  	_ =	sdelay $0x2  }
0x4a: {  	s20 =	sadd.s32 $0x40, s20;
	v1 =	vadd.s32 v1, v2  }
0x4b: {  	[tilespmem:s17+$0x10] =	vst v1;
	s31 =	simm.s32 $0x0  }
0x4c: {  	[tilespmem:s12], [sflag:$0x1] =	stream.indirect.gather [hbm4b:s5+s11], $0x20, s31, s11, $0xb8;
	[tilespmem:$0x7020] =	vst v63  }
0x4d: {  	_ =	swait.ge [sflag:s13], $0x6800  }
0x4e: {  	[sflag:s13] =	ssyncset.done $0x0  }
0x4f: {  	s17 =	simm.s32 $0x0;
	[sflag:s13] =	ssyncadd.s32 $0xFFFF9800  }
0x50: {  	s18 =	simm.s32 $0xD00;
	v1 =	vld [tilespmem:s17+$0x820]  }
.LBB2_7:
0x51: {  	p0 =	sne.s32 s18, $0x19300;
	v2 =	vld [tilespmem:$0x680];
	_ =	sdelay $0x4  }
0x52: {  	v1 =	vsel vm0, v2, v1  }
0x53: {  	[tilespmem:s17+$0x820] =	vst v1;
	v1 =	vld [tilespmem:s17+$0x840]  }
0x54: {  	v2 =	vld [tilespmem:$0x690];
	_ =	sdelay $0x4  }
0x55: {  	v1 =	vsel vm0, v2, v1  }
0x56: {  	[tilespmem:s17+$0x840] =	vst v1;
	v1 =	vld [tilespmem:s17+$0x860]  }
0x57: {  	v2 =	vld [tilespmem:$0x6A0];
	_ =	sdelay $0x4  }
0x58: {  	v1 =	vsel vm0, v2, v1  }
0x59: {  	[tilespmem:s17+$0x860] =	vst v1;
	v1 =	vld [tilespmem:s17+$0x880]  }
0x5a: {  	v2 =	vld [tilespmem:$0x6B0];
	_ =	sdelay $0x4  }
0x5b: {  	v1 =	vsel vm0, v2, v1  }
0x5c: {  	[tilespmem:s17+$0x880] =	vst v1;
	v1 =	vld [tilespmem:s17+$0x8A0]  }
0x5d: {  	v2 =	vld [tilespmem:$0x6C0];
	_ =	sdelay $0x4  }
0x5e: {  	v1 =	vsel vm0, v2, v1  }
0x5f: {  	[tilespmem:s17+$0x8A0] =	vst v1;
	v1 =	vld [tilespmem:s17+$0x8C0]  }
0x60: {  	v2 =	vld [tilespmem:$0x6D0];
	_ =	sdelay $0x4  }
0x61: {  	v1 =	vsel vm0, v2, v1  }
0x62: {  	[tilespmem:s17+$0x8C0] =	vst v1;
	v1 =	vld [tilespmem:s17+$0x8E0]  }
0x63: {  	v2 =	vld [tilespmem:$0x6E0];
	_ =	sdelay $0x4  }
0x64: {  	v1 =	vsel vm0, v2, v1  }
0x65: {  	[tilespmem:s17+$0x8E0] =	vst v1;
	v1 =	vld [tilespmem:s17+$0x900]  }
0x66: {  	v2 =	vld [tilespmem:$0x6F0];
	_ =	sdelay $0x4  }
0x67: {  	v1 =	vsel vm0, v2, v1  }
0x68: {  	[tilespmem:s17+$0x900] =	vst v1;
	v1 =	vld [tilespmem:s17+$0x920]  }
0x69: {  	v2 =	vld [tilespmem:$0x700];
	_ =	sdelay $0x4  }
0x6a: {  	v1 =	vsel vm0, v2, v1  }
0x6b: {  	[tilespmem:s17+$0x920] =	vst v1;
	v1 =	vld [tilespmem:s17+$0x940]  }
0x6c: {  	v2 =	vld [tilespmem:$0x710];
	_ =	sdelay $0x4  }
0x6d: {  	v1 =	vsel vm0, v2, v1  }
0x6e: {  	[tilespmem:s17+$0x940] =	vst v1;
	v1 =	vld [tilespmem:s17+$0x960]  }
0x6f: {  	v2 =	vld [tilespmem:$0x720];
	_ =	sdelay $0x4  }
0x70: {  	v1 =	vsel vm0, v2, v1  }
0x71: {  	[tilespmem:s17+$0x960] =	vst v1;
	v1 =	vld [tilespmem:s17+$0x980]  }
0x72: {  	v2 =	vld [tilespmem:$0x730];
	_ =	sdelay $0x4  }
0x73: {  	v1 =	vsel vm0, v2, v1  }
0x74: {  	[tilespmem:s17+$0x980] =	vst v1;
	v1 =	vld [tilespmem:s17+$0x9A0]  }
0x75: {  	v2 =	vld [tilespmem:$0x740];
	_ =	sdelay $0x4  }
0x76: {  	v1 =	vsel vm0, v2, v1  }
0x77: {  	[tilespmem:s17+$0x9A0] =	vst v1;
	v1 =	vld [tilespmem:s17+$0x9C0]  }
0x78: {  	v2 =	vld [tilespmem:$0x750];
	_ =	sdelay $0x4  }
0x79: {  	v1 =	vsel vm0, v2, v1  }
0x7a: {  	[tilespmem:s17+$0x9C0] =	vst v1;
	v1 =	vld [tilespmem:s17+$0x9E0]  }
0x7b: {  	v2 =	vld [tilespmem:$0x760];
	_ =	sdelay $0x4  }
0x7c: {  	v1 =	vsel vm0, v2, v1  }
0x7d: {  	[tilespmem:s17+$0x9E0] =	vst v1;
	v1 =	vld [tilespmem:s17+$0xA00]  }
0x7e: {  	v2 =	vld [tilespmem:$0x770];
	_ =	sdelay $0x4  }
0x7f: {  	v1 =	vsel vm0, v2, v1  }
0x80: {  	[tilespmem:s17+$0xA00] =	vst v1;
	v1 =	vld [tilespmem:s17+$0xA20]  }
0x81: {  	v2 =	vld [tilespmem:$0x780];
	_ =	sdelay $0x4  }
0x82: {  	v1 =	vsel vm0, v2, v1  }
0x83: {  	[tilespmem:s17+$0xA20] =	vst v1;
	v1 =	vld [tilespmem:s17+$0xA40]  }
0x84: {  	v2 =	vld [tilespmem:$0x790];
	_ =	sdelay $0x4  }
0x85: {  	v1 =	vsel vm0, v2, v1  }
0x86: {  	[tilespmem:s17+$0xA40] =	vst v1;
	v1 =	vld [tilespmem:s17+$0xA60]  }
0x87: {  	v2 =	vld [tilespmem:$0x7A0];
	_ =	sdelay $0x4  }
0x88: {  	v1 =	vsel vm0, v2, v1  }
0x89: {  	[tilespmem:s17+$0xA60] =	vst v1;
	v1 =	vld [tilespmem:s17+$0xA80]  }
0x8a: {  	v2 =	vld [tilespmem:$0x7B0];
	_ =	sdelay $0x4  }
0x8b: {  	v1 =	vsel vm0, v2, v1  }
0x8c: {  	[tilespmem:s17+$0xA80] =	vst v1;
	v1 =	vld [tilespmem:s17+$0xAA0]  }
0x8d: {  	v2 =	vld [tilespmem:$0x7C0];
	_ =	sdelay $0x4  }
0x8e: {  	v1 =	vsel vm0, v2, v1  }
0x8f: {  	[tilespmem:s17+$0xAA0] =	vst v1;
	v1 =	vld [tilespmem:s17+$0xAC0]  }
0x90: {  	v2 =	vld [tilespmem:$0x7D0];
	_ =	sdelay $0x4  }
0x91: {  	v1 =	vsel vm0, v2, v1  }
0x92: {  	[tilespmem:s17+$0xAC0] =	vst v1;
	v1 =	vld [tilespmem:s17+$0xAE0]  }
0x93: {  	v2 =	vld [tilespmem:$0x7E0];
	_ =	sdelay $0x4  }
0x94: {  	v1 =	vsel vm0, v2, v1  }
0x95: {  	[tilespmem:s17+$0xAE0] =	vst v1;
	v1 =	vld [tilespmem:s17+$0xB00]  }
0x96: {  	v2 =	vld [tilespmem:$0x7F0];
	_ =	sdelay $0x4  }
0x97: {  	v1 =	vsel vm0, v2, v1  }
0x98: {  	[tilespmem:s17+$0xB00] =	vst v1;
	v1 =	vld [tilespmem:s17+$0xB20]  }
0x99: {  	v2 =	vld [tilespmem:$0x800];
	_ =	sdelay $0x4  }
0x9a: {  	v1 =	vsel vm0, v2, v1  }
0x9b: {  	[tilespmem:s17+$0xB20] =	vst v1;
	v1 =	vld [tilespmem:s17+$0xB40]  }
0x9c: {  	v2 =	vld [tilespmem:$0x810];
	_ =	sdelay $0x1  }
.Ltmp2:
0x9d: {  	(pc) =	sbr.rel @p0 .LBB2_7-.Ltmp2, $3  }
0x9e: {  	_ =	sdelay $0x1  }
0x9f: {  	s19 =	sshra.s32 s18, $0x2;
	v2 =	vsel vm0, v2, v1  }
0xa0: {  	s18 =	sadd.s32 $0xD00, s18;
	v1 =	vld [tilespmem:s19+$0x820];
	[tilespmem:s17+$0xB40] =	vst v2;
	s17 =	smov.u32 s19  }
0xa1: {  	v2 =	vld [tilespmem:$0x680];
	_ =	sdelay $0x4  }
0xa2: {  	v1 =	vsel vm0, v2, v1  }
0xa3: {  	[tilespmem:s17+$0x820] =	vst v1;
	v1 =	vld [tilespmem:s17+$0x840]  }
0xa4: {  	v2 =	vld [tilespmem:$0x690];
	_ =	sdelay $0x4  }
0xa5: {  	v1 =	vsel vm0, v2, v1  }
0xa6: {  	[tilespmem:s17+$0x840] =	vst v1;
	v1 =	vld [tilespmem:s17+$0x860]  }
0xa7: {  	v2 =	vld [tilespmem:$0x6A0];
	_ =	sdelay $0x4  }
0xa8: {  	v1 =	vsel vm0, v2, v1  }
0xa9: {  	[tilespmem:s17+$0x860] =	vst v1;
	v1 =	vld [tilespmem:s17+$0x880]  }
0xaa: {  	v2 =	vld [tilespmem:$0x6B0];
	_ =	sdelay $0x4  }
0xab: {  	v1 =	vsel vm0, v2, v1  }
0xac: {  	[tilespmem:s17+$0x880] =	vst v1;
	v1 =	vld [tilespmem:s17+$0x8A0]  }
0xad: {  	v2 =	vld [tilespmem:$0x6C0];
	_ =	sdelay $0x4  }
0xae: {  	v1 =	vsel vm0, v2, v1  }
0xaf: {  	[tilespmem:s17+$0x8A0] =	vst v1;
	v1 =	vld [tilespmem:s17+$0x8C0]  }
0xb0: {  	v2 =	vld [tilespmem:$0x6D0];
	_ =	sdelay $0x4  }
0xb1: {  	v1 =	vsel vm0, v2, v1  }
0xb2: {  	[tilespmem:s17+$0x8C0] =	vst v1;
	v1 =	vld [tilespmem:s17+$0x8E0]  }
0xb3: {  	v2 =	vld [tilespmem:$0x6E0];
	_ =	sdelay $0x4  }
0xb4: {  	v1 =	vsel vm0, v2, v1  }
0xb5: {  	[tilespmem:s17+$0x8E0] =	vst v1;
	v1 =	vld [tilespmem:s17+$0x900]  }
0xb6: {  	v2 =	vld [tilespmem:$0x6F0];
	_ =	sdelay $0x4  }
0xb7: {  	v1 =	vsel vm0, v2, v1  }
0xb8: {  	[tilespmem:s17+$0x900] =	vst v1;
	v1 =	vld [tilespmem:s17+$0x920]  }
0xb9: {  	v2 =	vld [tilespmem:$0x700];
	_ =	sdelay $0x4  }
0xba: {  	v1 =	vsel vm0, v2, v1  }
0xbb: {  	[tilespmem:s17+$0x920] =	vst v1;
	v1 =	vld [tilespmem:s17+$0x940]  }
0xbc: {  	v2 =	vld [tilespmem:$0x710];
	_ =	sdelay $0x4  }
0xbd: {  	v1 =	vsel vm0, v2, v1  }
0xbe: {  	[tilespmem:s17+$0x940] =	vst v1;
	v1 =	vld [tilespmem:s17+$0x960]  }
0xbf: {  	v2 =	vld [tilespmem:$0x720];
	_ =	sdelay $0x4  }
0xc0: {  	v1 =	vsel vm0, v2, v1  }
0xc1: {  	[tilespmem:s17+$0x960] =	vst v1;
	v1 =	vld [tilespmem:s17+$0x980]  }
0xc2: {  	v2 =	vld [tilespmem:$0x730];
	_ =	sdelay $0x4  }
0xc3: {  	v1 =	vsel vm0, v2, v1  }
0xc4: {  	[tilespmem:s17+$0x980] =	vst v1;
	v1 =	vld [tilespmem:s17+$0x9A0]  }
0xc5: {  	v2 =	vld [tilespmem:$0x740];
	_ =	sdelay $0x4  }
0xc6: {  	v1 =	vsel vm0, v2, v1  }
0xc7: {  	[tilespmem:s17+$0x9A0] =	vst v1;
	v1 =	vld [tilespmem:s17+$0x9C0]  }
0xc8: {  	v2 =	vld [tilespmem:$0x750];
	_ =	sdelay $0x4  }
0xc9: {  	v1 =	vsel vm0, v2, v1  }
0xca: {  	[tilespmem:s17+$0x9C0] =	vst v1;
	v1 =	vld [tilespmem:s17+$0x9E0]  }
0xcb: {  	v2 =	vld [tilespmem:$0x760];
	_ =	sdelay $0x4  }
0xcc: {  	v1 =	vsel vm0, v2, v1  }
0xcd: {  	[tilespmem:s17+$0x9E0] =	vst v1;
	v1 =	vld [tilespmem:s17+$0xA00]  }
0xce: {  	v2 =	vld [tilespmem:$0x770];
	_ =	sdelay $0x4  }
0xcf: {  	v1 =	vsel vm0, v2, v1  }
0xd0: {  	[tilespmem:s17+$0xA00] =	vst v1;
	v1 =	vld [tilespmem:s17+$0xA20]  }
0xd1: {  	v2 =	vld [tilespmem:$0x780];
	_ =	sdelay $0x4  }
0xd2: {  	v1 =	vsel vm0, v2, v1  }
0xd3: {  	[tilespmem:s17+$0xA20] =	vst v1;
	v1 =	vld [tilespmem:s17+$0xA40]  }
0xd4: {  	v2 =	vld [tilespmem:$0x790];
	_ =	sdelay $0x4  }
0xd5: {  	v1 =	vsel vm0, v2, v1  }
0xd6: {  	[tilespmem:s17+$0xA40] =	vst v1;
	v1 =	vld [tilespmem:s17+$0xA60]  }
0xd7: {  	v2 =	vld [tilespmem:$0x7A0];
	_ =	sdelay $0x4  }
0xd8: {  	v1 =	vsel vm0, v2, v1  }
0xd9: {  	[tilespmem:s17+$0xA60] =	vst v1;
	v1 =	vld [tilespmem:s17+$0xA80]  }
0xda: {  	v2 =	vld [tilespmem:$0x7B0];
	_ =	sdelay $0x4  }
0xdb: {  	v1 =	vsel vm0, v2, v1  }
0xdc: {  	[tilespmem:s17+$0xA80] =	vst v1;
	v1 =	vld [tilespmem:s17+$0xAA0]  }
0xdd: {  	v2 =	vld [tilespmem:$0x7C0];
	_ =	sdelay $0x4  }
0xde: {  	v1 =	vsel vm0, v2, v1  }
0xdf: {  	[tilespmem:s17+$0xAA0] =	vst v1;
	v1 =	vld [tilespmem:s17+$0xAC0]  }
0xe0: {  	v2 =	vld [tilespmem:$0x7D0];
	_ =	sdelay $0x4  }
0xe1: {  	v1 =	vsel vm0, v2, v1  }
0xe2: {  	[tilespmem:s17+$0xAC0] =	vst v1;
	v1 =	vld [tilespmem:s17+$0xAE0]  }
0xe3: {  	v2 =	vld [tilespmem:$0x7E0];
	_ =	sdelay $0x4  }
0xe4: {  	v1 =	vsel vm0, v2, v1  }
0xe5: {  	[tilespmem:s17+$0xAE0] =	vst v1;
	v1 =	vld [tilespmem:s17+$0xB00]  }
0xe6: {  	v2 =	vld [tilespmem:$0x7F0];
	_ =	sdelay $0x4  }
0xe7: {  	v1 =	vsel vm0, v2, v1  }
0xe8: {  	[tilespmem:s17+$0xB00] =	vst v1;
	v1 =	vld [tilespmem:s17+$0xB20]  }
0xe9: {  	v2 =	vld [tilespmem:$0x800];
	_ =	sdelay $0x4  }
0xea: {  	v1 =	vsel vm0, v2, v1  }
0xeb: {  	[tilespmem:s17+$0xB20] =	vst v1;
	v1 =	vld [tilespmem:s17+$0xB40]  }
0xec: {  	v2 =	vld [tilespmem:$0x810];
	_ =	sdelay $0x3  }
0xed: {  	s15 =	sadd.s32 $0x1, s15  }
0xee: {  	s16 =	sshll.u32 s16, $0x2;
	p0 =	sne.s32 s15, $0x10;
	v1 =	vsel vm0, v2, v1  }
.Ltmp3:
0xef: {  	s16 =	sadd.s32 s1, s16;
	[tilespmem:s17+$0xB40] =	vst v1;
	(pc) =	sbr.rel @p0 .LBB2_4-.Ltmp3, $4  }
0xf0: {  	[hbm4b:s16+s2] =	stream.linear.scatter [tilespmem:s12], [sflag:$0x2], $0x6800, $0x38;
	[tilespmem:$0x7020] =	vst v63  }
0xf1: {  	_ =	swait.ge [sflag:s10], $0x6800  }
0xf2: {  	[sflag:s10] =	ssyncset.done $0x0  }
0xf3: {  	[sflag:s10] =	ssyncadd.s32 $0xFFFF9800  }
0xf4: {  	s14 =	sadd.s32 $0x1, s14  }
0xf5: {  	p0 =	sne.s32 s14, s8  }
.Ltmp4:
0xf6: {  	_ = 	snop;
	(pc) =	sbr.rel @p0 .LBB2_1-.Ltmp4, $1  }
0xf7: {  	_ =	sdelay $0x3  }
0xf8: {  	_ =	sfence.sel $0x180000  }
0xf9: {  	[bflag:$0x0] =	sbarrier.arrive $0xFFFF  }
0xfa: {  	p0 =	sne.s32 s3, $0x0;
	_ =	strace $0x9000004D  }
0xfb: {  	s0 =	sadd.s32 @!p0 $0x100000, s0;
	[bflag:$0x2] =	sbarrier.arrive $0xFFFF  }
0xfc: {  	[sflag:s0] =	ssyncadd.tile.s32 @!p0 $0x1;
	_ =	shalt  }
.Lfunc_end2:
_tile_overlayer_lowered:
.L_overlay_start_2:
0xfd: {  	(tag) =	ssettag $0x2  }
0xfe: {  	s0 =	rddreg [dreg:$0x0];
	s2 =	stileid.u32  }
0xff: {  	s1 =	rddreg [dreg:$0x1];
	p0 =	sne.s32 s2, $0x0  }
0x100: {  	s3 =	rddreg [dreg:$0x2];
	[bflag:$0x3] =	sbarrier.arrive $0xFFFF;
	s2 =	simm.s32 @!p0 $0x1C02  }
0x101: {  	[timem:s3], [sflag:s2] =	dma.local @!p0 [hbm:s0], s1  }
0x102: {  	s0 =	simm.s32 @!p0 $0x2  }
0x103: {  	_ =	swait.ge @!p0 [sflag:s0], s1  }
0x104: {  	s1 =	ssub.s32 @!p0 $0x0, s1;
	[sflag:s0] =	ssyncset.done @!p0 $0x0  }
0x105: {  	[sflag:s0] =	ssyncadd.s32 @!p0 s1  }
0x106: {  	[bflag:$0x3] =	sbarrier.arrive $0xFFFF  }
0x107: {  	_ =	shalt  }

// kernel: sparse-core-data-format-call.1.cloned.1.call-start
scs
called_computation.1_lowered:
.L_overlay_start_0:
0x0: {  	s1 =	sld [smem:$0x3FD9]  }
0x1: {  	s2 =	sld [smem:$0x3FFE];
	_ =	sdelay $0x1  }
0x2: {  	s3 =	srdreg.scid  }
0x3: {  	s0 =	sand.u32 $0x1, s3  }
0x4: {  	s17 =	sshll.u32 s0, $0xA;
	s1 =	sadd.s32 s2, s1  }
0x5: {  	s1 =	sadd.s32 s1, s17  }
0x6: {  	[smem:$0x3FC5] =	sst s1  }
0x7: {  	_ = 	snop  }
0x8: {  	(tm) =	ssettm $0x1  }
0x9: {  	s18 =	sld [smem:$0x3FFB];
	_ =	sdelay $0x3  }
0xa: {  	_ =	strace s18  }
0xb: {  	s1 =	sld [smem:$0x3FFC];
	_ =	sdelay $0x3  }
0xc: {  	_ =	strace s1  }
0xd: {  	s1 =	sld [smem:$0x3FFD];
	_ =	sdelay $0x3  }
0xe: {  	_ =	strace s1  }
0xf: {  	_ =	strace $0x8FFFFFFF  }
0x10: {  	s19 =	sld [smem:$0x3FDB];
	_ =	sdelay $0x1  }
0x11: {  	s20 =	simm.s32 $_scs_section_size  }
0x12: {  	s4 =	simm.s32 $_size__tile_overlayer_lowered;
	s5 =	simm.s32 $_tile_overlayer_lowered  }
0x13: {  	s23 =	simm.s32 $0x1BFF;
	s22 =	sshll.u32 s5, $0x1;
	s1 =	sadd.s32 s20, s19  }
0x14: {  	s6 =	simm.s32 $0x0;
	s21 =	sshll.u32 s4, $0x1;
	s4 =	sadd.s32 s22, s1  }
0x15: {  	[timem:s6], [sflag:s23] =	dma.local [hbm:s4], s21  }
0x16: {  	_ =	swait.ge [sflag:s23], s21  }
0x17: {  	s2 =	ssub.s32 $0x0, s21;
	[sflag:s23] =	ssyncset.done $0x0  }
0x18: {  	[sflag:s23] =	ssyncadd.s32 s2;
	_ =	sdelay $0x1  }
0x19: {  	s24 =	simm.s32 $0x1B8B  }
0x1a: {  	_ =	swait.ge [sflag:s24], $0x1  }
0x1b: {  	[sflag:s24] =	ssyncset.done $0x0  }
0x1c: {  	s26 =	simm.s32 $0x1B8E;
	s25 =	sld [smem:$0x3FFE];
	[sflag:s24] =	ssyncadd.s32 $0xFFFFFFFF  }
0x1d: {  	s27 =	simm.s32 $execute0_lowered;
	[smem:$0x3FD2] =	sst s26  }
0x1e: {  	s4 =	sshll.u32 s27, $0x1;
	_ =	strace $0x80000049;
	[dreg:$0x1] =	wrdreg $0xFFFFFFFF  }
0x1f: {  	s28 =	simm.s32 $_size_execute0_lowered;
	s1 =	sadd.s32 s1, s4;
	[dreg:$0x0] =	wrdreg $0x0  }
0x20: {  	s4 =	sshll.u32 s28, $0x1;
	[dreg:$0x2] =	wrdreg s1  }
0x21: {  	[dreg:$0x3] =	wrdreg s4  }
0x22: {  	[dreg:$0x4] =	wrdreg $0xC0  }
0x23: {  	_ =	task [dreg:s6], $0x5FFFF  }
0x24: {  	[dreg:$0x1] =	wrdreg $0xFFFFFFFF  }
0x25: {  	[dreg:$0x0] =	wrdreg $0x60  }
0x26: {  	[dreg:$0x2] =	wrdreg s25  }
0x27: {  	[dreg:$0x3] =	wrdreg $0x9  }
0x28: {  	_ =	task.clear_ibuf [dreg:s6], $0x4FFFF;
	_ =	strace $0x90000049  }
0x29: {  	s29 =	simm.s32 $0x9;
	_ =	strace $0x8000004B  }
0x2a: {  	_ =	swait.ge [sflag:s29], $0x1  }
0x2b: {  	[sflag:s29] =	ssyncadd.s32 $0xFFFFFFFF  }
0x2c: {  	_ =	strace $0x9000004B  }
0x2d: {  	_ =	sfence  }
0x2e: {  	s30 =	sld [smem:$0x0];
	_ =	sdelay $0x2  }
0x2f: {  	s31 =	sshll.u32 s3, $0xD;
	s3 =	sshrl.u32 s3, $0x2  }
0x30: {  	s2 =	sand.u32 $0x4000, s31;
	s1 =	sadd.s32 s3, s30  }
0x31: {  	s0 =	sor.u32 s2, s0;
	s1 =	sshll.u32 s1, $0x11  }
0x32: {  	s0 =	sor.u32 s1, s0  }
0x33: {  	s0 =	sadd.s32 $0x8F2B, s0  }
0x34: {  	[sflag:s0] =	ssyncadd.remote.s32 $0x1  }
0x35: {  	_ =	sfence.sel $0xFFFF  }
0x36: {  	[dreg:$0x0] =	wrdreg $0xFFFFFFFF;
	(pc) =	sbr.abs _section_cstart, $3  }
0x37: {  	[dreg:$0x1] =	wrdreg $0xFFFFFFFF  }
0x38: {  	_ =	task.clear_ibuf [dreg:s6], $0x2FFFF;
	_ =	strace $0x9FFFFFFF  }
0x39: {  	(tm) =	ssettm $0x7FFFFFFF  }
tec
execute0_lowered:
.L_overlay_start_1:
0x0: {  	(tag) =	ssettag $0x1  }
0x1: {  	s0 =	srdreg.scid  }
0x2: {  	s5 =	rddreg [dreg:$0x0];
	s1 =	stileid.u32;
	s4 =	simm.s32 $0x1  }
0x3: {  	s6 =	simm.s32 $0x2;
	s15 =	simm.s32 $0x0;
	p0 =	por $0x0, $0x0  }
0x4: {  	s8 =	simm.s32 $0x80;
	s14 =	simm.s32 $0x0;
	s2 =	sshll.u32 s0, $0x4  }
0x5: {  	s9 =	simm.s32 $0x0;
	s10 =	simm.s32 $0x0;
	s2 =	sand.u32 $0x10, s2  }
.Ltmp0:
0x6: {  	s12 =	simm.s32 $0x0;
	s3 =	sor.u32 s1, s2;
	(pc) =	sbr.rel .LBB1_1-.Ltmp0, $4  }
0x7: {  	s0 =	rddreg [dreg:$0x1];
	_ =	strace $0x8000004A;
	s3 =	sshll.u32 s3, $0x7  }
0x8: {  	s13 =	simm.s32 $0x0;
	[sflag:s4] =	ssyncpa.u1 $0x0;
	s7 =	ssub.s32 $0x27AC00, s3  }
0x9: {  	s2 =	sadd.s32 $0x2013800, s5;
	[sflag:s6] =	ssyncpa.u1 $0x0;
	s6 =	sshrl.u32 s7, $0xC  }
0xa: {  	s5 =	sadd.s32 $0x29FEA00, s5;
	s11 =	smov.u32 s3;
	s7 =	sadd.s32 $0x2, s6  }
.LBB1_5:
0xb: {  	p1 =	slt.u32 s13, $0x2  }
0xc: {  	s17 =	smov.u32 s15;
	p2 =	sgt.s32 @!p1 s15, $0x27ABE0;
	s16 =	sshra.s32 @!p1 s15, $0x1F  }
0xd: {  	p3 =	sgt.s32 @!p1 s14, $0x60;
	s18 =	sshra.s32 @!p1 s14, $0x1F;
	p2 =	por !p2, p1  }
0xe: {  	s15 =	sand.u32 @!p1 s16, s15;
	p3 =	por !p3, p1;
	s16 =	smov.u32 s14  }
0xf: {  	s14 =	sand.u32 @!p1 s18, s14;
	s17 =	simm.s32 @p2 $0x27ABE0;
	s16 =	simm.s32 @p3 $0x60  }
0x10: {  	s15 =	ssub.s32 @!p1 s17, s15;
	s14 =	ssub.s32 @!p1 s16, s14  }
0x11: {  	s18 =	smov.u32 s12;
	s16 =	sadd.s32 @!p1 $0xFFD85420, s15;
	s17 =	sadd.s32 @!p1 $0xFFFFFFA0, s14  }
0x12: {  	s15 =	ssub.s32 @!p1 $0x27AC60, s15;
	p2 =	sgt.s32 @!p1 s16, $0x7F;
	p3 =	sgt.s32 @!p1 s17, $0x1F  }
0x13: {  	s14 =	ssub.s32 @!p1 $0x80, s14;
	p2 =	por !p2, p1;
	p3 =	por !p3, p1  }
0x14: {  	s16 =	sadd.s32 $0x1000, s11;
	s15 =	simm.s32 @!p2 $0x0;
	s14 =	simm.s32 @!p3 $0x0  }
0x15: {  	p2 =	sgt.s32 s16, $0x27AC59;
	s14 =	smul.u32 @!p1 s14, s15;
	s15 =	sadd.s32 $0x20, s12  }
0x16: {  	s18 =	smov.u32 @p2 s15  }
0x17: {  	s16 =	smov.u32 @p2 s3;
	p2 =	sgt.s32 s18, $0x1F  }
0x18: {  	s18 =	simm.s32 @p2 $0x0;
	p2 =	sne.s32 s13, s7  }
.Ltmp1:
0x19: {  	p0 =	por !p0, !p0;
	s17 =	simm.s32 @!p1 $0x2;
	(pc) =	sbr.rel @!p2 .LBB1_6-.Ltmp1, $4  }
0x1a: {  	s15 =	smov.u32 s9;
	s9 =	smov.u32 s11;
	s14 =	sand.u32 @!p1 $0x3FFFFFFF, s14  }
0x1b: {  	s11 =	smov.u32 s16;
	_ =	swait.ge @!p1 [sflag:s17], s14;
	s19 =	ssub.s32 @!p1 $0x0, s14  }
0x1c: {  	s14 =	smov.u32 s10;
	s13 =	sadd.s32 $0x1, s13;
	[sflag:s17] =	ssyncset.done @!p1 $0x0  }
0x1d: {  	s10 =	smov.u32 s12;
	s12 =	smov.u32 s18;
	[sflag:s17] =	ssyncadd.s32 @!p1 s19  }
.LBB1_1:
0x1e: {  	p1 =	sgt.u32 s13, s6  }
0x1f: {  	s16 =	sshrl.u32 @!p1 s12, $0x3  }
0x20: {  	s17 =	sshll.u32 @!p1 s11, $0x3;
	s16 =	smul.u32 @!p1 $0x13D6400, s16  }
0x21: {  	s18 =	sshll.u32 @!p1 s12, $0x7;
	s17 =	sand.u32 @!p1 $0xFFFFFC00, s17  }
0x22: {  	s16 =	sadd.s32 @!p1 s16, s17;
	s17 =	sand.u32 @!p1 $0x380, s18  }
0x23: {  	s18 =	sand.u32 @!p1 $0x7F, s11;
	s16 =	sor.u32 @!p1 s17, s16  }
0x24: {  	s17 =	sor.u32 @!p1 s18, s16  }
0x25: {  	s18 =	smulhi.u32 @!p1 $0xCE7BD5B5, s17;
	_ =	sdelay $0x1  }
0x26: {  	s16 =	smulhi.u32 @!p1 $0xCE7BD5B5, s16;
	s18 =	sshrl.u32 @!p1 s18, $0x15  }
0x27: {  	s18 =	smul.u32 @!p1 $0x27AC80, s18  }
0x28: {  	s19 =	sxor.u32 @!p1 $0xFFFFFFFF, s13;
	s16 =	sshrl.u32 @!p1 s16, $0x15  }
0x29: {  	s19 =	sshll.u32 @!p1 s19, $0xC;
	s16 =	sand.u32 @!p1 $0x1F, s16;
	s17 =	ssub.s32 @!p1 s17, s18  }
0x2a: {  	s16 =	smul.u32 @!p1 $0x4F590, s16;
	s18 =	sshrl.u32 @!p1 s17, $0x3;
	s17 =	sand.u32 @!p1 $0x7, s17  }
0x2b: {  	s19 =	sand.u32 @!p1 $0x1000, s19;
	s18 =	sadd.s32 @!p1 s2, s18;
	s17 =	sshll.u32 @!p1 s17, $0x12  }
0x2c: {  	s16 =	sadd.s32 @!p1 s16, s18;
	s17 =	sor.u32 @!p1 $0x400, s17;
	s18 =	simm.s32 @!p1 $0x13D6400  }
0x2d: {  	[tilespmem:s19], [sflag:$0x1] =	stream.strided.gather @!p1 [hbm4b:s16+s17], $0x1000, s18, s17, $0x38;
	[tilespmem:$0x4100] =	vst v63  }
0x2e: {  	p1 =	seq.s32 s13, $0x0  }
0x2f: {  	p2 =	sge.u32 @!p1 s13, s7  }
0x30: {  	p1 =	por p1, p2  }
.Ltmp2:
0x31: {  	_ = 	snop;
	(pc) =	sbr.rel @p1 .LBB1_5-.Ltmp2, $1  }
0x32: {  	_ =	sdelay $0x3  }
0x33: {  	s16 =	simm.s32 $0x1  }
0x34: {  	_ =	swait.ge [sflag:s4], $0x1000;
	s16 =	simm.s32 @!p0 $0x0  }
0x35: {  	[sflag:s4] =	ssyncset.done $0x0;
	s17 =	sshll.u32 s16, $0xC  }
0x36: {  	[sflag:s4] =	ssyncadd.s32 $0xFFFFF000;
	s18 =	sor.u32 $0x40, s17  }
0x37: {  	s16 =	smul.u32 $0x4200, s16;
	v0 =	vld [tilespmem:s18+$0x30]  }
0x38: {  	v1 =	vld [tilespmem:s18+$0xFFFFFFD0]  }
0x39: {  	s16 =	sshrl.u32 s16, $0x2;
	v5 =	vld [tilespmem:s18+$0xFFFFFFE0]  }
0x3a: {  	v6 =	vld [tilespmem:s18+$0xFFFFFFF0];
	s19 =	sor.u32 $0x2000, s16  }
0x3b: {  	s31 =	sand.u32 $0x1, s13;
	v4 =	vld [tilespmem:s18+$0x0];
	s17 =	sadd.s32 $0x0, s19  }
0x3c: {  	v3 =	vld [tilespmem:s18+$0x10];
	s16 =	smul.u32 $0x4200, s31;
	[tilespmem:s17+$0xE70 ss:$0x21] =	vst.msk $0xffff, v0  }
0x3d: {  	v2 =	vld [tilespmem:s18+$0x20];
	[tilespmem:s17+$0x210 ss:$0x21] =	vst.msk $0xffff, v1  }
0x3e: {  	s16 =	sshrl.u32 s16, $0x2;
	v1 =	vld [tilespmem:s18+$0xFFFFFFC0];
	[tilespmem:s17+$0x420 ss:$0x21] =	vst.msk $0xffff, v5;
	s18 =	sadd.s32 $0x80, s18  }
0x3f: {  	s20 =	simm.s32 $0x4;
	s21 =	simm.s32 $0x8;
	s16 =	sor.u32 $0x2000, s16;
	[tilespmem:s17+$0x630 ss:$0x21] =	vst.msk $0xffff, v6;
	v0 =	vld [tilespmem:s18+$0x30]  }
.LBB1_3:
0x40: {  	p1 =	sne.s32 s21, $0x7C;
	v5 =	vld [tilespmem:s18+$0xFFFFFFD0];
	[tilespmem:s17+$0x840 ss:$0x21] =	vst.msk $0xffff, v4  }
0x41: {  	v6 =	vld [tilespmem:s18+$0xFFFFFFE0];
	[tilespmem:s17+$0xA50 ss:$0x21] =	vst.msk $0xffff, v3  }
0x42: {  	s22 =	sshra.s32 s20, $0x2;
	s20 =	smov.u32 s21;
	v7 =	vld [tilespmem:s18+$0xFFFFFFF0];
	[tilespmem:s17+$0xC60 ss:$0x21] =	vst.msk $0xffff, v2  }
.Ltmp3:
0x43: {  	v4 =	vld [tilespmem:s18+$0x0];
	[tilespmem:s17+$0x0 ss:$0x21] =	vst.msk $0xffff, v1;
	s17 =	sadd.s32 s22, s19;
	(pc) =	sbr.rel @p1 .LBB1_3-.Ltmp3, $4  }
0x44: {  	v3 =	vld [tilespmem:s18+$0x10];
	[tilespmem:s17+$0xE70 ss:$0x21] =	vst.msk $0xffff, v0  }
0x45: {  	[tilespmem:s17+$0x210 ss:$0x21] =	vst.msk $0xffff, v5;
	v2 =	vld [tilespmem:s18+$0x20]  }
0x46: {  	v1 =	vld [tilespmem:s18+$0xFFFFFFC0];
	[tilespmem:s17+$0x420 ss:$0x21] =	vst.msk $0xffff, v6;
	s18 =	sadd.s32 $0x80, s18  }
0x47: {  	s21 =	sadd.s32 $0x4, s21;
	v0 =	vld [tilespmem:s18+$0x30];
	[tilespmem:s17+$0x630 ss:$0x21] =	vst.msk $0xffff, v7  }
0x48: {  	s21 =	sshll.u32 s9, $0x7;
	s22 =	sshll.u32 s10, $0x3;
	s20 =	sshra.s32 s20, $0x2  }
0x49: {  	p1 =	sgt.s32 s9, $0x27ABE0;
	s23 =	sand.u32 $0xFFFFFC00, s21;
	s22 =	sand.u32 $0xFFFFFC00, s22  }
0x4a: {  	v5 =	vld [tilespmem:s18+$0xFFFFFFD0];
	s30 =	sshra.s32 s9, $0x1F;
	s21 =	sand.u32 $0x380, s21;
	s22 =	sadd.s32 s22, s23  }
0x4b: {  	v6 =	vld [tilespmem:s18+$0xFFFFFFE0];
	[tilespmem:s17+$0x840 ss:$0x21] =	vst.msk $0xffff, v4;
	s25 =	sshra.s32 s10, $0x1F;
	s19 =	sadd.s32 s20, s19;
	s29 =	sor.u32 s21, s22  }
0x4c: {  	v60 =	vld [tilespmem:s18+$0xFFFFFFF0];
	[tilespmem:s17+$0xA50 ss:$0x21] =	vst.msk $0xffff, v3;
	s21 =	smov.u32 s9;
	s22 =	sand.u32 s30, s9;
	s30 =	sand.u32 $0x7, s10  }
0x4d: {  	v61 =	vld [tilespmem:s18+$0x0];
	[tilespmem:s17+$0xC60 ss:$0x21] =	vst.msk $0xffff, v2;
	s20 =	sshrl.u32 s29, $0x7;
	s21 =	simm.s32 @!p1 $0x27ABE0;
	p1 =	sgt.s32 s10, $0x60  }
0x4e: {  	v62 =	vld [tilespmem:s18+$0x10];
	[tilespmem:s17+$0x0 ss:$0x21] =	vst.msk $0xffff, v1;
	s29 =	sshrl.u32 s10, $0x3;
	s24 =	ssub.s32 s21, s22;
	s21 =	smov.u32 s10  }
0x4f: {  	v63 =	vld [tilespmem:s18+$0x20];
	[tilespmem:s19+$0xE70 ss:$0x21] =	vst.msk $0xffff, v0;
	s31 =	smulhi.u32 $0x19CF8F9, s20;
	s22 =	sand.u32 s25, s10;
	s21 =	simm.s32 @!p1 $0x60  }
0x50: {  	[tilespmem:s19+$0x210 ss:$0x21] =	vst.msk $0xffff, v5;
	s27 =	sadd.s32 $0xFFD85420, s24;
	s17 =	ssub.s32 $0x27AC60, s24;
	s21 =	ssub.s32 s21, s22  }
0x51: {  	v7 =	vld [tilespmem:s18+$0xFFFFFFC0];
	[tilespmem:s19+$0x420 ss:$0x21] =	vst.msk $0xffff, v6;
	s26 =	sshrl.u32 s31, $0xE;
	p1 =	sgt.s32 s27, $0x7F;
	s28 =	sadd.s32 $0xFFFFFFA0, s21  }
0x52: {  	[tilespmem:s19+$0x630 ss:$0x21] =	vst.msk $0xffff, v60;
	s18 =	smul.u32 $0x27AC60, s26;
	s21 =	ssub.s32 $0x80, s21;
	p2 =	sgt.s32 s28, $0x1F  }
.Ltmp4:
0x53: {  	[tilespmem:s19+$0x840 ss:$0x21] =	vst.msk $0xffff, v61;
	s17 =	simm.s32 @p1 $0x0;
	s21 =	simm.s32 @p2 $0x0;
	(pc) =	sbr.rel .LBB1_5-.Ltmp4, $4  }
0x54: {  	[tilespmem:s19+$0xA50 ss:$0x21] =	vst.msk $0xffff, v62;
	s18 =	ssub.s32 s20, s18;
	s20 =	sand.u32 $0xF, s29;
	s17 =	smul.u32 s21, s17  }
0x55: {  	[tilespmem:s19+$0xC60 ss:$0x21] =	vst.msk $0xffff, v63;
	s18 =	sshll.u32 s18, $0x4;
	s20 =	sadd.s32 s5, s20;
	s21 =	sshll.u32 s30, $0x12  }
0x56: {  	[tilespmem:s19+$0x0 ss:$0x21] =	vst.msk $0xffff, v7;
	s18 =	sadd.s32 s18, s20;
	s31 =	sor.u32 $0x20, s21;
	s17 =	sand.u32 $0x3FFFFFFF, s17  }
0x57: {  	[hbm4b:s18+s31] =	stream.strided.scatter [tilespmem:s16], [sflag:$0x2], s17, s8, s31, $0x10;
	[tilespmem:$0x4100] =	vst v63  }
.LBB1_6:
0x58: {  	_ =	sfence.sel $0x180000  }
0x59: {  	s2 =	simm.s32 $0x1;
	[bflag:$0x0] =	sbarrier.arrive $0xFFFF  }
0x5a: {  	s31 =	simm.s32 $0x2;
	[sflag:s2] =	ssyncpa.u1 $0x1  }
0x5b: {  	[sflag:s31] =	ssyncpa.u1 $0x1  }
0x5c: {  	p0 =	sne.s32 s1, $0x0;
	_ =	strace $0x9000004A  }
0x5d: {  	s0 =	sadd.s32 @!p0 $0x100000, s0;
	[bflag:$0x2] =	sbarrier.arrive $0xFFFF  }
0x5e: {  	[sflag:s0] =	ssyncadd.tile.s32 @!p0 $0x1;
	_ =	shalt  }
.Lfunc_end1:
_tile_overlayer_lowered:
.L_overlay_start_2:
0x5f: {  	(tag) =	ssettag $0x2  }
0x60: {  	s0 =	rddreg [dreg:$0x0];
	s2 =	stileid.u32  }
0x61: {  	s1 =	rddreg [dreg:$0x1];
	p0 =	sne.s32 s2, $0x0  }
0x62: {  	s3 =	rddreg [dreg:$0x2];
	[bflag:$0x3] =	sbarrier.arrive $0xFFFF;
	s2 =	simm.s32 @!p0 $0x1C01  }
0x63: {  	[timem:s3], [sflag:s2] =	dma.local @!p0 [hbm:s0], s1  }
0x64: {  	s0 =	simm.s32 @!p0 $0x1  }
0x65: {  	_ =	swait.ge @!p0 [sflag:s0], s1  }
0x66: {  	s1 =	ssub.s32 @!p0 $0x0, s1;
	[sflag:s0] =	ssyncset.done @!p0 $0x0  }
0x67: {  	[sflag:s0] =	ssyncadd.s32 @!p0 s1  }
0x68: {  	[bflag:$0x3] =	sbarrier.arrive $0xFFFF  }
0x69: {  	_ =	shalt  }

// kernel: sparse-core-data-format-call.2.cloned.1.call-start
scs
called_computation.2_lowered:
.L_overlay_start_0:
0x0: {  	s1 =	sld [smem:$0x3FD9]  }
0x1: {  	s2 =	sld [smem:$0x3FFE];
	_ =	sdelay $0x1  }
0x2: {  	s3 =	srdreg.scid  }
0x3: {  	s0 =	sand.u32 $0x1, s3  }
0x4: {  	s17 =	sshll.u32 s0, $0xA;
	s1 =	sadd.s32 s2, s1  }
0x5: {  	s1 =	sadd.s32 s1, s17  }
0x6: {  	[smem:$0x3FC5] =	sst s1  }
0x7: {  	_ = 	snop  }
0x8: {  	(tm) =	ssettm $0x1  }
0x9: {  	s18 =	sld [smem:$0x3FFB];
	_ =	sdelay $0x3  }
0xa: {  	_ =	strace s18  }
0xb: {  	s1 =	sld [smem:$0x3FFC];
	_ =	sdelay $0x3  }
0xc: {  	_ =	strace s1  }
0xd: {  	s1 =	sld [smem:$0x3FFD];
	_ =	sdelay $0x3  }
0xe: {  	_ =	strace s1  }
0xf: {  	_ =	strace $0x8FFFFFFF  }
0x10: {  	s19 =	sld [smem:$0x3FDB];
	_ =	sdelay $0x1  }
0x11: {  	s20 =	simm.s32 $_scs_section_size  }
0x12: {  	s4 =	simm.s32 $_size__tile_overlayer_lowered;
	s5 =	simm.s32 $_tile_overlayer_lowered  }
0x13: {  	s23 =	simm.s32 $0x1BFF;
	s22 =	sshll.u32 s5, $0x1;
	s1 =	sadd.s32 s20, s19  }
0x14: {  	s6 =	simm.s32 $0x0;
	s21 =	sshll.u32 s4, $0x1;
	s4 =	sadd.s32 s22, s1  }
0x15: {  	[timem:s6], [sflag:s23] =	dma.local [hbm:s4], s21  }
0x16: {  	_ =	swait.ge [sflag:s23], s21  }
0x17: {  	s2 =	ssub.s32 $0x0, s21;
	[sflag:s23] =	ssyncset.done $0x0  }
0x18: {  	[sflag:s23] =	ssyncadd.s32 s2;
	_ =	sdelay $0x1  }
0x19: {  	s24 =	simm.s32 $0x1B8B  }
0x1a: {  	_ =	swait.ge [sflag:s24], $0x1  }
0x1b: {  	[sflag:s24] =	ssyncset.done $0x0  }
0x1c: {  	s26 =	simm.s32 $0x1B8E;
	s25 =	sld [smem:$0x3FFE];
	[sflag:s24] =	ssyncadd.s32 $0xFFFFFFFF  }
0x1d: {  	s27 =	simm.s32 $execute0_lowered;
	[smem:$0x3FD2] =	sst s26  }
0x1e: {  	s4 =	sshll.u32 s27, $0x1;
	_ =	strace $0x80000046;
	[dreg:$0x1] =	wrdreg $0xFFFFFFFF  }
0x1f: {  	s28 =	simm.s32 $_size_execute0_lowered;
	s1 =	sadd.s32 s1, s4;
	[dreg:$0x0] =	wrdreg $0x0  }
0x20: {  	s4 =	sshll.u32 s28, $0x1;
	[dreg:$0x2] =	wrdreg s1  }
0x21: {  	[dreg:$0x3] =	wrdreg s4  }
0x22: {  	[dreg:$0x4] =	wrdreg $0xC0  }
0x23: {  	_ =	task [dreg:s6], $0x5FFFF  }
0x24: {  	[dreg:$0x1] =	wrdreg $0xFFFFFFFF  }
0x25: {  	[dreg:$0x0] =	wrdreg $0x60  }
0x26: {  	[dreg:$0x2] =	wrdreg s25  }
0x27: {  	[dreg:$0x3] =	wrdreg $0x9  }
0x28: {  	_ =	task.clear_ibuf [dreg:s6], $0x4FFFF;
	_ =	strace $0x90000046  }
0x29: {  	s29 =	simm.s32 $0x9;
	_ =	strace $0x80000048  }
0x2a: {  	_ =	swait.ge [sflag:s29], $0x1  }
0x2b: {  	[sflag:s29] =	ssyncadd.s32 $0xFFFFFFFF  }
0x2c: {  	_ =	strace $0x90000048  }
0x2d: {  	_ =	sfence  }
0x2e: {  	s30 =	sld [smem:$0x0];
	_ =	sdelay $0x2  }
0x2f: {  	s31 =	sshll.u32 s3, $0xD;
	s3 =	sshrl.u32 s3, $0x2  }
0x30: {  	s2 =	sand.u32 $0x4000, s31;
	s1 =	sadd.s32 s3, s30  }
0x31: {  	s0 =	sor.u32 s2, s0;
	s1 =	sshll.u32 s1, $0x11  }
0x32: {  	s0 =	sor.u32 s1, s0  }
0x33: {  	s0 =	sadd.s32 $0x8F2B, s0  }
0x34: {  	[sflag:s0] =	ssyncadd.remote.s32 $0x1  }
0x35: {  	_ =	sfence.sel $0xFFFF  }
0x36: {  	[dreg:$0x0] =	wrdreg $0xFFFFFFFF;
	(pc) =	sbr.abs _section_cstart, $3  }
0x37: {  	[dreg:$0x1] =	wrdreg $0xFFFFFFFF  }
0x38: {  	_ =	task.clear_ibuf [dreg:s6], $0x2FFFF;
	_ =	strace $0x9FFFFFFF  }
0x39: {  	(tm) =	ssettm $0x7FFFFFFF  }
tec
execute0_lowered:
.L_overlay_start_1:
0x0: {  	(tag) =	ssettag $0x1  }
0x1: {  	s0 =	srdreg.scid;
	s5 =	rddreg [dreg:$0x0];
	s6 =	simm.s32 $0x2  }
0x2: {  	s15 =	simm.s32 $0x0;
	s8 =	simm.s32 $0x30E000;
	s1 =	sshll.u32 s0, $0x4  }
0x3: {  	s9 =	simm.s32 $0x0;
	s0 =	stileid.u32;
	s1 =	sand.u32 $0x10, s1  }
0x4: {  	s14 =	simm.s32 $0x0;
	s16 =	simm.s32 $0x0;
	s1 =	sor.u32 s0, s1  }
0x5: {  	s11 =	simm.s32 $0x0;
	s12 =	simm.s32 $0x0;
	s2 =	sshll.u32 s1, $0x7  }
.Ltmp0:
0x6: {  	s13 =	simm.s32 $0x0;
	s3 =	ssub.s32 $0x18680, s2;
	(pc) =	sbr.rel .LBB1_1-.Ltmp0, $4  }
0x7: {  	s1 =	rddreg [dreg:$0x1];
	_ =	strace $0x80000047;
	s4 =	sshrl.u32 s3, $0xC  }
0x8: {  	s10 =	smov.u32 s2;
	s3 =	simm.s32 $0x1;
	s7 =	smul.u32 $0x7, s4  }
0x9: {  	s4 =	sadd.s32 $0x2E00, s5;
	[sflag:s3] =	ssyncpa.u1 $0x0;
	s5 =	sadd.s32 $0x9F0600, s5  }
0xa: {  	[sflag:s6] =	ssyncpa.u1 $0x0;
	s6 =	sadd.s32 $0x7, s7;
	s7 =	sadd.s32 $0x8, s7  }
.LBB1_7:
0xb: {  	s17 =	sadd.s32 $0x1000, s10  }
0xc: {  	s14 =	sadd.s32 $0x20, s11;
	s18 =	smov.u32 s11;
	p1 =	sgt.s32 s17, $0x186A0  }
0xd: {  	s18 =	smov.u32 @p1 s14  }
0xe: {  	s20 =	smov.u32 s12;
	s14 =	sadd.s32 $0x4, s12;
	p2 =	sgt.s32 s18, $0x1F  }
0xf: {  	s20 =	smov.u32 @p2 s14  }
0x10: {  	s17 =	smov.u32 @p1 s2;
	p1 =	sgt.s32 s20, $0x19  }
0x11: {  	p0 =	slt.u32 s13, $0x2;
	s20 =	simm.s32 @p1 $0x0;
	p1 =	sne.s32 s13, s7  }
.Ltmp1:
0x12: {  	s19 =	simm.s32 @!p0 $0x2;
	(pc) =	sbr.rel @!p1 .LBB1_8-.Ltmp1, $4  }
0x13: {  	s15 =	smov.u32 s10;
	s16 =	smov.u32 s12;
	_ =	swait.ge @!p0 [sflag:s19], $0x4000  }
0x14: {  	s9 =	sadd.s32 $0x4000, s9;
	[sflag:s19] =	ssyncset.done @!p0 $0x0;
	s10 =	smov.u32 s17  }
0x15: {  	s18 =	simm.s32 @p2 $0x0;
	s14 =	smov.u32 s11;
	[sflag:s19] =	ssyncadd.s32 @!p0 $0xFFFFC000  }
0x16: {  	s11 =	smov.u32 s18;
	s13 =	sadd.s32 $0x1, s13;
	s12 =	smov.u32 s20  }
.LBB1_1:
0x17: {  	p0 =	sge.u32 s13, s6;
	s21 =	smov.u32 s10  }
0x18: {  	s17 =	sshrl.u32 @!p0 s11, $0x3;
	s18 =	sshll.u32 @!p0 s10, $0x3;
	s19 =	sshll.u32 @!p0 s11, $0x7  }
0x19: {  	p1 =	sgt.s32 @!p0 s12, $0x16;
	s20 =	sshra.s32 @!p0 s12, $0x1F;
	s17 =	smul.u32 @!p0 $0xC3800, s17  }
0x1a: {  	s22 =	sshra.s32 @!p0 s10, $0x1F;
	s18 =	sand.u32 @!p0 $0xFFFFFC00, s18;
	p1 =	por !p1, p0  }
0x1b: {  	s20 =	sand.u32 @!p0 s20, s12;
	s17 =	sadd.s32 @!p0 s17, s18;
	s18 =	sand.u32 @!p0 $0x380, s19  }
0x1c: {  	s19 =	sand.u32 @!p0 $0x7F, s10;
	s17 =	sor.u32 @!p0 s18, s17;
	s18 =	smov.u32 s12  }
0x1d: {  	s18 =	simm.s32 @p1 $0x16;
	p1 =	sgt.s32 @!p0 s10, $0x18680;
	s19 =	sor.u32 @!p0 s19, s17  }
0x1e: {  	p1 =	por !p1, p0;
	s18 =	ssub.s32 @!p0 s18, s20;
	s20 =	sand.u32 @!p0 s22, s10  }
0x1f: {  	s21 =	simm.s32 @p1 $0x18680;
	s22 =	sadd.s32 @!p0 $0xFFFFFFEA, s18;
	s18 =	ssub.s32 @!p0 $0x1A, s18  }
0x20: {  	s20 =	ssub.s32 @!p0 s21, s20;
	p1 =	sgt.s32 @!p0 s22, $0x3;
	s21 =	ssub.s32 @!p0 $0x0, s11  }
0x21: {  	s22 =	sadd.s32 @!p0 $0xFFFE7980, s20;
	s21 =	smin.u32 @!p0 s11, s21;
	p1 =	por !p1, p0  }
0x22: {  	p2 =	sgt.s32 @!p0 s22, $0x7F;
	s22 =	smulhi.u32 @!p0 $0xA79C7B17, s19;
	p3 =	sgt.s32 @!p0 s21, $0x1F  }
0x23: {  	s18 =	simm.s32 @!p1 $0x0;
	s21 =	ssub.s32 @!p0 $0x20, s21;
	p1 =	por !p3, p0  }
0x24: {  	s17 =	smulhi.u32 @!p0 $0xA79C7B17, s17;
	s20 =	ssub.s32 @!p0 $0x18700, s20;
	s21 =	simm.s32 @!p1 $0x0  }
0x25: {  	s22 =	sshrl.u32 @!p0 s22, $0x10;
	p1 =	por !p2, p0;
	s18 =	smul.u32 @!p0 s21, s18  }
0x26: {  	s21 =	smul.u32 @!p0 $0x18700, s22;
	s20 =	simm.s32 @!p1 $0x0  }
0x27: {  	s17 =	sshrl.u32 @!p0 s17, $0x10;
	s22 =	sxor.u32 @!p0 $0xFFFFFFFF, s13;
	s18 =	smul.u32 @!p0 s20, s18  }
0x28: {  	s17 =	sand.u32 @!p0 $0x1F, s17;
	s20 =	sshll.u32 @!p0 s22, $0xE;
	s22 =	smul.u32 @!p0 $0x61C00, s12  }
0x29: {  	s17 =	smul.u32 @!p0 $0x30E0, s17;
	s19 =	ssub.s32 @!p0 s19, s21;
	s20 =	sand.u32 @!p0 $0x4000, s20  }
0x2a: {  	s18 =	sand.u32 @!p0 $0x3FFFFFFF, s18;
	s21 =	sadd.s32 @!p0 s4, s22;
	s22 =	sand.u32 @!p0 $0x7, s19  }
0x2b: {  	s19 =	sshrl.u32 @!p0 s19, $0x3;
	s17 =	sadd.s32 @!p0 s17, s21;
	s21 =	sshll.u32 @!p0 s22, $0x12  }
0x2c: {  	s17 =	sadd.s32 @!p0 s19, s17;
	s19 =	sor.u32 @!p0 $0x400, s21;
	s21 =	simm.s32 @!p0 $0xC3800  }
0x2d: {  	[tilespmem:s20], [sflag:$0x1] =	stream.strided.gather @!p0 [hbm4b:s17+s19], s18, s21, s19, $0x38;
	[tilespmem:$0x10000] =	vst v63  }
0x2e: {  	p0 =	seq.s32 s13, $0x0  }
0x2f: {  	p1 =	sge.u32 @!p0 s13, s7  }
0x30: {  	p0 =	por p0, p1  }
.Ltmp2:
0x31: {  	_ = 	snop;
	(pc) =	sbr.rel @p0 .LBB1_7-.Ltmp2, $1  }
0x32: {  	_ =	sdelay $0x3  }
0x33: {  	p0 =	sgt.s32 s16, $0x16  }
0x34: {  	s17 =	smov.u32 s16;
	s18 =	sshra.s32 s16, $0x1F;
	s29 =	ssub.s32 $0x0, s14  }
0x35: {  	p1 =	sgt.s32 s15, $0x18680;
	s17 =	simm.s32 @!p0 $0x16;
	s18 =	sand.u32 s18, s16  }
0x36: {  	s19 =	smov.u32 s15;
	s20 =	sshra.s32 s15, $0x1F;
	s17 =	ssub.s32 s17, s18  }
0x37: {  	s19 =	simm.s32 @!p1 $0x18680;
	s20 =	sand.u32 s20, s15;
	s18 =	sadd.s32 $0xFFFFFFEA, s17  }
0x38: {  	s19 =	ssub.s32 s19, s20;
	p0 =	sgt.s32 s18, $0x3;
	s18 =	smin.u32 s14, s29  }
0x39: {  	s17 =	ssub.s32 $0x1A, s17;
	p1 =	sgt.s32 s18, $0x1F;
	s18 =	ssub.s32 $0x20, s18  }
0x3a: {  	s20 =	sadd.s32 $0xFFFE7980, s19;
	s17 =	simm.s32 @p0 $0x0;
	s18 =	simm.s32 @p1 $0x0  }
0x3b: {  	p0 =	sgt.s32 s20, $0x7F;
	s17 =	smul.u32 s18, s17;
	s18 =	ssub.s32 $0x18700, s19  }
0x3c: {  	s18 =	simm.s32 @p0 $0x0  }
0x3d: {  	s17 =	smul.u32 s18, s17;
	_ =	sdelay $0x1  }
0x3e: {  	s30 =	sand.u32 $0x4000, s9;
	s31 =	sshll.u32 s13, $0xE;
	s17 =	sand.u32 $0x3FFFFFFF, s17  }
0x3f: {  	s20 =	sand.u32 $0x4000, s31;
	s19 =	sor.u32 $0x40, s30;
	_ =	swait.ge [sflag:s3], s17  }
0x40: {  	s18 =	sor.u32 $0x8040, s30;
	s17 =	ssub.s32 $0x0, s17;
	[sflag:s3] =	ssyncset.done $0x0  }
0x41: {  	[sflag:s3] =	ssyncadd.s32 s17;
	s17 =	sor.u32 $0x8000, s20;
	s20 =	simm.s32 $0x0  }
.LBB1_3:
0x42: {  	v0 =	vmov s19;
	_ =	sdelay $0x3  }
0x43: {  	s22 =	simm.s32 $0x0  }
0x44: {  	v6 =	vld.idx.msk [tilespmem:v0+s22+$0x30 ss:$0x1], $0xffff  }
0x45: {  	v7 =	vld.idx.msk [tilespmem:v0+s22+$0xFFFFFFC0 ss:$0x1], $0xffff  }
0x46: {  	v5 =	vld.idx.msk [tilespmem:v0+s22+$0xFFFFFFD0 ss:$0x1], $0xffff  }
0x47: {  	v4 =	vld.idx.msk [tilespmem:v0+s22+$0xFFFFFFE0 ss:$0x1], $0xffff  }
0x48: {  	v3 =	vld.idx.msk [tilespmem:v0+s22+$0xFFFFFFF0 ss:$0x1], $0xffff  }
0x49: {  	v1 =	vld.idx.msk [tilespmem:v0+s22+$0x0 ss:$0x1], $0xffff  }
0x4a: {  	v2 =	vld.idx.msk [tilespmem:v0+s22+$0x10 ss:$0x1], $0xffff;
	[tilespmem:s18+$0x30] =	vst v6  }
0x4b: {  	s21 =	simm.s32 $0x80;
	s23 =	simm.s32 $0x400;
	[tilespmem:s18+$0xFFFFFFC0] =	vst v7;
	v6 =	vld.idx.msk [tilespmem:v0+s22+$0x20 ss:$0x1], $0xffff;
	s22 =	smov.u32 s18  }
.LBB1_4:
0x4c: {  	p0 =	sne.s32 s23, $0x3E00;
	v7 =	vld.idx.msk [tilespmem:v0+s21+$0x30 ss:$0x1], $0xffff;
	[tilespmem:s22+$0xFFFFFFD0] =	vst v5  }
0x4d: {  	v8 =	vld.idx.msk [tilespmem:v0+s21+$0xFFFFFFC0 ss:$0x1], $0xffff;
	[tilespmem:s22+$0xFFFFFFE0] =	vst v4  }
0x4e: {  	v5 =	vld.idx.msk [tilespmem:v0+s21+$0xFFFFFFD0 ss:$0x1], $0xffff;
	[tilespmem:s22+$0xFFFFFFF0] =	vst v3  }
.Ltmp3:
0x4f: {  	v4 =	vld.idx.msk [tilespmem:v0+s21+$0xFFFFFFE0 ss:$0x1], $0xffff;
	[tilespmem:s22+$0x0] =	vst v1;
	(pc) =	sbr.rel @p0 .LBB1_4-.Ltmp3, $4  }
0x50: {  	v3 =	vld.idx.msk [tilespmem:v0+s21+$0xFFFFFFF0 ss:$0x1], $0xffff;
	[tilespmem:s22+$0x10] =	vst v2  }
0x51: {  	v1 =	vld.idx.msk [tilespmem:v0+s21+$0x0 ss:$0x1], $0xffff;
	[tilespmem:s22+$0x20] =	vst v6;
	s22 =	sadd.s32 $0x200, s22  }
0x52: {  	v2 =	vld.idx.msk [tilespmem:v0+s21+$0x10 ss:$0x1], $0xffff;
	[tilespmem:s22+$0x30] =	vst v7  }
0x53: {  	[tilespmem:s22+$0xFFFFFFC0] =	vst v8;
	v6 =	vld.idx.msk [tilespmem:v0+s21+$0x20 ss:$0x1], $0xffff;
	s21 =	sshra.s32 s23, $0x2;
	s23 =	sadd.s32 $0x200, s23  }
0x54: {  	_ =	sdelay $0x2  }
0x55: {  	[tilespmem:s22+$0xFFFFFFD0] =	vst v5  }
0x56: {  	v56 =	vld.idx.msk [tilespmem:v0+s21+$0x30 ss:$0x1], $0xffff;
	[tilespmem:s22+$0xFFFFFFE0] =	vst v4  }
0x57: {  	v57 =	vld.idx.msk [tilespmem:v0+s21+$0xFFFFFFC0 ss:$0x1], $0xffff;
	[tilespmem:s22+$0xFFFFFFF0] =	vst v3  }
0x58: {  	v58 =	vld.idx.msk [tilespmem:v0+s21+$0xFFFFFFD0 ss:$0x1], $0xffff;
	[tilespmem:s22+$0x0] =	vst v1  }
0x59: {  	v59 =	vld.idx.msk [tilespmem:v0+s21+$0xFFFFFFE0 ss:$0x1], $0xffff;
	[tilespmem:s22+$0x10] =	vst v2  }
0x5a: {  	v60 =	vld.idx.msk [tilespmem:v0+s21+$0xFFFFFFF0 ss:$0x1], $0xffff;
	s31 =	sadd.s32 $0x200, s22;
	[tilespmem:s22+$0x20] =	vst v6  }
0x5b: {  	v61 =	vld.idx.msk [tilespmem:v0+s21+$0x0 ss:$0x1], $0xffff;
	[tilespmem:s31+$0x30] =	vst v56  }
0x5c: {  	v62 =	vld.idx.msk [tilespmem:v0+s21+$0x10 ss:$0x1], $0xffff;
	s20 =	sadd.s32 $0x1, s20;
	[tilespmem:s31+$0xFFFFFFC0] =	vst v57  }
0x5d: {  	v63 =	vld.idx.msk [tilespmem:v0+s21+$0x20 ss:$0x1], $0xffff;
	p0 =	sne.s32 s20, $0x4;
	[tilespmem:s31+$0xFFFFFFD0] =	vst v58  }
.Ltmp4:
0x5e: {  	[tilespmem:s31+$0xFFFFFFE0] =	vst v59;
	(pc) =	sbr.rel @p0 .LBB1_3-.Ltmp4, $4  }
0x5f: {  	[tilespmem:s31+$0xFFFFFFF0] =	vst v60  }
0x60: {  	[tilespmem:s31+$0x0] =	vst v61  }
0x61: {  	[tilespmem:s31+$0x10] =	vst v62  }
0x62: {  	s18 =	sadd.s32 $0x80, s18;
	s19 =	sadd.s32 $0x1000, s19;
	[tilespmem:s31+$0x20] =	vst v63  }
0x63: {  	s18 =	sshrl.u32 s16, $0x3  }
0x64: {  	s19 =	sshll.u32 s15, $0x3;
	s18 =	smul.u32 $0xC3800, s18  }
0x65: {  	s27 =	sshll.u32 s16, $0x7;
	s19 =	sand.u32 $0xFFFFFC00, s19  }
0x66: {  	s16 =	sand.u32 $0x380, s27;
	s18 =	sadd.s32 s18, s19  }
0x67: {  	s28 =	sand.u32 $0x7F, s15;
	s16 =	sor.u32 s16, s18  }
0x68: {  	s15 =	sor.u32 s28, s16;
	s16 =	smulhi.u32 $0xA79C7B17, s16  }
0x69: {  	s29 =	smulhi.u32 $0xA79C7B17, s15;
	_ =	sdelay $0x1  }
0x6a: {  	s14 =	smul.u32 $0x61C00, s14;
	s16 =	sshrl.u32 s16, $0x10;
	s18 =	sshrl.u32 s29, $0x10  }
0x6b: {  	s16 =	sand.u32 $0x1F, s16;
	s18 =	smul.u32 $0x18700, s18  }
0x6c: {  	s16 =	smul.u32 $0x30E0, s16  }
.Ltmp5:
0x6d: {  	s15 =	ssub.s32 s15, s18;
	(pc) =	sbr.rel .LBB1_7-.Ltmp5, $4  }
0x6e: {  	s14 =	sadd.s32 s5, s14;
	s18 =	sand.u32 $0x7, s15  }
0x6f: {  	s14 =	sadd.s32 s16, s14;
	s15 =	sshrl.u32 s15, $0x3;
	s30 =	sshll.u32 s18, $0x12  }
0x70: {  	s14 =	sadd.s32 s15, s14;
	s31 =	sor.u32 $0x200, s30  }
0x71: {  	[hbm4b:s14+s31] =	stream.strided.scatter [tilespmem:s17], [sflag:$0x2], $0x4000, s8, s31, $0x38;
	[tilespmem:$0x10000] =	vst v63  }
.LBB1_8:
0x72: {  	_ =	sfence.sel $0x180000  }
0x73: {  	s2 =	simm.s32 $0x1;
	[bflag:$0x0] =	sbarrier.arrive $0xFFFF  }
0x74: {  	s31 =	simm.s32 $0x2;
	[sflag:s2] =	ssyncpa.u1 $0x1  }
0x75: {  	[sflag:s31] =	ssyncpa.u1 $0x1  }
0x76: {  	p0 =	sne.s32 s0, $0x0;
	_ =	strace $0x90000047  }
0x77: {  	s0 =	sadd.s32 @!p0 $0x100000, s1;
	[bflag:$0x2] =	sbarrier.arrive $0xFFFF  }
0x78: {  	[sflag:s0] =	ssyncadd.tile.s32 @!p0 $0x1;
	_ =	shalt  }
.Lfunc_end1:
_tile_overlayer_lowered:
.L_overlay_start_2:
0x79: {  	(tag) =	ssettag $0x2  }
0x7a: {  	s0 =	rddreg [dreg:$0x0];
	s2 =	stileid.u32  }
0x7b: {  	s1 =	rddreg [dreg:$0x1];
	p0 =	sne.s32 s2, $0x0  }
0x7c: {  	s3 =	rddreg [dreg:$0x2];
	[bflag:$0x3] =	sbarrier.arrive $0xFFFF;
	s2 =	simm.s32 @!p0 $0x1C01  }
0x7d: {  	[timem:s3], [sflag:s2] =	dma.local @!p0 [hbm:s0], s1  }
0x7e: {  	s0 =	simm.s32 @!p0 $0x1  }
0x7f: {  	_ =	swait.ge @!p0 [sflag:s0], s1  }
0x80: {  	s1 =	ssub.s32 @!p0 $0x0, s1;
	[sflag:s0] =	ssyncset.done @!p0 $0x0  }
0x81: {  	[sflag:s0] =	ssyncadd.s32 @!p0 s1  }
0x82: {  	[bflag:$0x3] =	sbarrier.arrive $0xFFFF  }
0x83: {  	_ =	shalt  }

// kernel: sparse-core-data-format-call.cloned.1.call-start
scs
called_computation_lowered:
.L_overlay_start_0:
0x0: {  	s2 =	sld [smem:$0x3FD9]  }
0x1: {  	s3 =	sld [smem:$0x3FFE];
	_ =	sdelay $0x1  }
0x2: {  	s1 =	srdreg.scid  }
0x3: {  	s0 =	sand.u32 $0x1, s1  }
0x4: {  	s18 =	sshll.u32 s0, $0xA;
	s2 =	sadd.s32 s3, s2  }
0x5: {  	s2 =	sadd.s32 s2, s18  }
0x6: {  	[smem:$0x3FC5] =	sst s2  }
0x7: {  	_ = 	snop  }
0x8: {  	s2 =	sld [smem:$0x3FD0];
	(tm) =	ssettm $0x1  }
0x9: {  	s19 =	sld [smem:$0x3FFB];
	_ =	sdelay $0x3  }
0xa: {  	_ =	strace s19  }
0xb: {  	s3 =	sld [smem:$0x3FFC];
	_ =	sdelay $0x3  }
0xc: {  	_ =	strace s3  }
0xd: {  	s3 =	sld [smem:$0x3FFD];
	_ =	sdelay $0x3  }
0xe: {  	_ =	strace s3  }
0xf: {  	_ =	strace $0x8FFFFFFF  }
0x10: {  	s20 =	sld [smem:$0x3FDB];
	_ =	sdelay $0x1  }
0x11: {  	s4 =	simm.s32 $_scs_section_size  }
0x12: {  	s5 =	simm.s32 $_size__tile_overlayer_lowered;
	s6 =	simm.s32 $_tile_overlayer_lowered  }
0x13: {  	s23 =	simm.s32 $0x1BFF;
	s22 =	sshll.u32 s6, $0x1;
	s3 =	sadd.s32 s4, s20  }
0x14: {  	s7 =	simm.s32 $0x0;
	s21 =	sshll.u32 s5, $0x1;
	s5 =	sadd.s32 s22, s3  }
0x15: {  	[timem:s7], [sflag:s23] =	dma.local [hbm:s5], s21  }
0x16: {  	_ =	swait.ge [sflag:s23], s21  }
0x17: {  	s4 =	ssub.s32 $0x0, s21;
	[sflag:s23] =	ssyncset.done $0x0  }
0x18: {  	[sflag:s23] =	ssyncadd.s32 s4;
	_ =	sdelay $0x1  }
0x19: {  	s24 =	simm.s32 $0x1B8B  }
0x1a: {  	_ =	swait.ge [sflag:s24], $0x1  }
0x1b: {  	[sflag:s24] =	ssyncset.done $0x0  }
0x1c: {  	s26 =	simm.s32 $0x1B8E;
	s25 =	sld [smem:$0x3FFE];
	[sflag:s24] =	ssyncadd.s32 $0xFFFFFFFF  }
0x1d: {  	s27 =	simm.s32 $execute0_lowered;
	[smem:$0x3FD2] =	sst s26  }
0x1e: {  	s5 =	sshll.u32 s27, $0x1;
	_ =	strace $0x8000004F;
	[dreg:$0x1] =	wrdreg $0xFFFFFFFF  }
0x1f: {  	s28 =	simm.s32 $_size_execute0_lowered;
	s3 =	sadd.s32 s3, s5;
	[dreg:$0x0] =	wrdreg $0x0  }
0x20: {  	s5 =	sshll.u32 s28, $0x1;
	[dreg:$0x2] =	wrdreg s3  }
0x21: {  	[dreg:$0x3] =	wrdreg s5  }
0x22: {  	[dreg:$0x4] =	wrdreg $0xC0  }
0x23: {  	_ =	task [dreg:s7], $0x5FFFF  }
0x24: {  	[dreg:$0x1] =	wrdreg $0xFFFFFFFF  }
0x25: {  	[dreg:$0x0] =	wrdreg $0x60  }
0x26: {  	[dreg:$0x2] =	wrdreg s25  }
0x27: {  	[dreg:$0x3] =	wrdreg s2  }
0x28: {  	[dreg:$0x4] =	wrdreg $0x9  }
0x29: {  	_ =	task.clear_ibuf [dreg:s7], $0x5FFFF;
	_ =	strace $0x9000004F  }
0x2a: {  	s29 =	simm.s32 $0x9;
	_ =	strace $0x80000051  }
0x2b: {  	_ =	swait.ge [sflag:s29], $0x1  }
0x2c: {  	[sflag:s29] =	ssyncadd.s32 $0xFFFFFFFF  }
0x2d: {  	_ =	strace $0x90000051  }
0x2e: {  	_ =	sfence  }
0x2f: {  	s30 =	sld [smem:$0x0];
	_ =	sdelay $0x2  }
0x30: {  	s31 =	sshll.u32 s1, $0xD;
	s1 =	sshrl.u32 s1, $0x2  }
0x31: {  	s3 =	sand.u32 $0x4000, s31;
	s1 =	sadd.s32 s1, s30  }
0x32: {  	s0 =	sor.u32 s3, s0;
	s1 =	sshll.u32 s1, $0x11  }
0x33: {  	s0 =	sor.u32 s1, s0  }
0x34: {  	s0 =	sadd.s32 $0x8F2B, s0  }
0x35: {  	[sflag:s0] =	ssyncadd.remote.s32 $0x1  }
0x36: {  	_ =	sfence.sel $0xFFFF  }
0x37: {  	[dreg:$0x0] =	wrdreg $0xFFFFFFFF;
	(pc) =	sbr.abs _section_cstart, $3  }
0x38: {  	[dreg:$0x1] =	wrdreg $0xFFFFFFFF  }
0x39: {  	_ =	task.clear_ibuf [dreg:s7], $0x2FFFF;
	_ =	strace $0x9FFFFFFF  }
0x3a: {  	(tm) =	ssettm $0x7FFFFFFF  }
0x3b: {  	_ =	shalt  }
tec
execute0_lowered:
.L_overlay_start_1:
0x0: {  	(tag) =	ssettag $0x1  }
0x1: {  	s0 =	srdreg.scid  }
0x2: {  	s1 =	sshll.u32 s0, $0x4  }
0x3: {  	s0 =	stileid.u32;
	s1 =	sand.u32 $0x10, s1  }
0x4: {  	s1 =	sor.u32 s0, s1  }
0x5: {  	s6 =	rddreg [dreg:$0x0];
	s4 =	simm.s32 $0x1;
	s2 =	sshll.u32 s1, $0x7  }
0x6: {  	s7 =	simm.s32 $0x2;
	s12 =	simm.s32 $0x0;
	s1 =	ssub.s32 $0x4000, s2  }
0x7: {  	s8 =	simm.s32 $0x20000;
	s13 =	simm.s32 $0x0;
	s3 =	sand.u32 $0xF80, s1  }
0x8: {  	s9 =	simm.s32 $0x0;
	s5 =	sshrl.u32 s1, $0xC;
	p0 =	sne.s32 s3, $0x0  }
.Ltmp0:
0x9: {  	s1 =	rddreg [dreg:$0x2];
	s4 =	simm.s32 @!p0 $0x0;
	(pc) =	sbr.rel .LBB1_1-.Ltmp0, $4  }
0xa: {  	s11 =	simm.s32 $0x0;
	s3 =	rddreg [dreg:$0x1];
	s5 =	sadd.s32 s4, s5  }
0xb: {  	_ =	strace $0x80000050;
	s4 =	simm.s32 $0x1;
	s5 =	smul.u32 $0x1A, s5  }
0xc: {  	s6 =	sadd.s32 $0x2E00, s6;
	s10 =	smov.u32 s2;
	[sflag:s4] =	ssyncpa.u1 $0x0  }
0xd: {  	p0 =	por $0x0, $0x0;
	[sflag:s7] =	ssyncpa.u1 $0x0;
	s7 =	sor.u32 $0x1, s5  }
.LBB1_4:
0xe: {  	s16 =	sshll.u32 s13, $0x3;
	s17 =	sand.u32 $0x78, s13  }
0xf: {  	s30 =	sand.u32 $0xF800, s13;
	s12 =	sshll.u32 s12, $0x10;
	s16 =	sand.u32 $0x3C00, s16  }
0x10: {  	s31 =	sand.u32 $0x7, s13;
	s16 =	sor.u32 s17, s16;
	s17 =	sadd.s32 s3, s30  }
0x11: {  	s13 =	sshll.u32 s31, $0x12;
	s16 =	sshrl.u32 s16, $0x3;
	s12 =	sadd.s32 s12, s17  }
0x12: {  	[tilespmem:s15+$0x0 ss:$0x81] =	vst.msk $0xffff, v0;
	s13 =	sor.u32 $0x400, s13;
	s12 =	sadd.s32 s16, s12  }
0x13: {  	[hbm4b:s12+s13] =	stream.strided.scatter [tilespmem:s14], [sflag:$0x2], $0x1000, s8, s13, $0x20;
	[tilespmem:$0x4040] =	vst v63  }
.LBB1_5:
0x14: {  	s14 =	sadd.s32 $0x1, s9  }
0x15: {  	s12 =	sadd.s32 $0x1000, s10;
	s16 =	smov.u32 s10;
	p2 =	sgt.s32 s14, $0x19  }
0x16: {  	s16 =	smov.u32 @p2 s12  }
0x17: {  	s14 =	simm.s32 @p2 $0x0;
	p2 =	sgt.s32 s16, $0x3FFF  }
0x18: {  	s16 =	smov.u32 @p2 s2;
	p2 =	sne.s32 s11, s7  }
.Ltmp1:
0x19: {  	p1 =	slt.u32 s11, $0x2;
	(pc) =	sbr.rel @!p2 .LBB1_6-.Ltmp1, $4  }
0x1a: {  	s15 =	simm.s32 @!p1 $0x2  }
0x1b: {  	s13 =	smov.u32 s10;
	p0 =	por !p0, !p0;
	_ =	swait.ge @!p1 [sflag:s15], $0x1000  }
0x1c: {  	s12 =	smov.u32 s9;
	[sflag:s15] =	ssyncset.done @!p1 $0x0;
	s9 =	smov.u32 s14  }
0x1d: {  	s11 =	sadd.s32 $0x1, s11;
	[sflag:s15] =	ssyncadd.s32 @!p1 $0xFFFFF000;
	s10 =	smov.u32 s16  }
.LBB1_1:
0x1e: {  	p1 =	sge.u32 s11, s5  }
0x1f: {  	s31 =	sadd.s32 $0xFFFFFFFF, s11;
	s14 =	sxor.u32 @!p1 $0xFFFFFFFF, s11  }
0x20: {  	s15 =	sshll.u32 @!p1 s10, $0x9;
	s16 =	sshll.u32 @!p1 s9, $0x4;
	s17 =	simm.s32 @!p1 $0x1000  }
0x21: {  	s14 =	sshll.u32 @!p1 s14, $0xC;
	s16 =	sand.u32 @!p1 $0x1F0, s16;
	s15 =	sadd.s32 @!p1 s6, s15  }
0x22: {  	s14 =	sand.u32 @!p1 $0x1000, s14;
	s15 =	sadd.s32 @!p1 s16, s15;
	s16 =	simm.s32 @!p1 $0x20  }
0x23: {  	[tilespmem:s14], [sflag:$0x1] =	stream.strided.gather @!p1 [hbm4b:s15+s16], $0x1000, s17, s16, $0x38;
	[tilespmem:$0x4040] =	vst v63  }
0x24: {  	p1 =	sge.u32 s31, s5  }
.Ltmp2:
0x25: {  	_ = 	snop;
	(pc) =	sbr.rel @p1 .LBB1_5-.Ltmp2, $1  }
0x26: {  	_ =	sdelay $0x3  }
0x27: {  	s14 =	simm.s32 $0x1  }
0x28: {  	_ =	swait.ge [sflag:s4], $0x1000;
	s14 =	simm.s32 @!p0 $0x0  }
0x29: {  	[sflag:s4] =	ssyncset.done $0x0;
	s15 =	sshll.u32 s14, $0xC  }
0x2a: {  	[sflag:s4] =	ssyncadd.s32 $0xFFFFF000;
	s18 =	sor.u32 $0x10, s15  }
0x2b: {  	s14 =	smul.u32 $0x4080, s14;
	v1 =	vld [tilespmem:s18+$0x0]  }
0x2c: {  	s30 =	sand.u32 $0x1, s11;
	v0 =	vld [tilespmem:s18+$0xFFFFFFF0]  }
0x2d: {  	s15 =	smul.u32 $0x4080, s30;
	s14 =	sshrl.u32 s14, $0x2  }
0x2e: {  	s16 =	sor.u32 $0x2000, s14  }
0x2f: {  	s31 =	sshrl.u32 s15, $0x2;
	s15 =	sadd.s32 $0x0, s16  }
0x30: {  	s17 =	simm.s32 $0x4;
	s18 =	sadd.s32 $0x20, s18;
	s14 =	sor.u32 $0x2000, s31;
	[tilespmem:s15+$0x810 ss:$0x81] =	vst.msk $0xffff, v1  }
.LBB1_3:
0x31: {  	v1 =	vld [tilespmem:s18+$0x0];
	p1 =	sne.s32 s17, $0x1FC;
	[tilespmem:s15+$0x0 ss:$0x81] =	vst.msk $0xffff, v0;
	s15 =	smov.u32 s17;
	s17 =	sadd.s32 $0x4, s17  }
.Ltmp3:
0x32: {  	v0 =	vld [tilespmem:s18+$0xFFFFFFF0];
	(pc) =	sbr.rel @p1 .LBB1_3-.Ltmp3, $4  }
0x33: {  	_ = 	snop  }
0x34: {  	s15 =	sshra.s32 s15, $0x2  }
0x35: {  	s15 =	sadd.s32 s15, s16  }
0x36: {  	s18 =	sadd.s32 $0x20, s18;
	[tilespmem:s15+$0x810 ss:$0x81] =	vst.msk $0xffff, v1  }
.Ltmp4:
0x37: {  	_ = 	snop;
	(pc) =	sbr.rel .LBB1_4-.Ltmp4, $1  }
0x38: {  	_ =	sdelay $0x3  }
.LBB1_6:
0x39: {  	_ =	sfence.sel $0x180000  }
0x3a: {  	s2 =	simm.s32 $0x1;
	[bflag:$0x0] =	sbarrier.arrive $0xFFFF  }
0x3b: {  	s31 =	simm.s32 $0x2;
	[sflag:s2] =	ssyncpa.u1 $0x1  }
0x3c: {  	[sflag:s31] =	ssyncpa.u1 $0x1  }
0x3d: {  	p0 =	sne.s32 s0, $0x0;
	_ =	strace $0x90000050  }
0x3e: {  	s0 =	sadd.s32 @!p0 $0x100000, s1;
	[bflag:$0x2] =	sbarrier.arrive $0xFFFF  }
0x3f: {  	[sflag:s0] =	ssyncadd.tile.s32 @!p0 $0x1;
	_ =	shalt  }
.Lfunc_end1:
_tile_overlayer_lowered:
.L_overlay_start_2:
0x40: {  	(tag) =	ssettag $0x2  }
0x41: {  	s0 =	rddreg [dreg:$0x0];
	s2 =	stileid.u32  }
0x42: {  	s1 =	rddreg [dreg:$0x1];
	p0 =	sne.s32 s2, $0x0  }
0x43: {  	s3 =	rddreg [dreg:$0x2];
	[bflag:$0x3] =	sbarrier.arrive $0xFFFF;
	s2 =	simm.s32 @!p0 $0x1C01  }
0x44: {  	[timem:s3], [sflag:s2] =	dma.local @!p0 [hbm:s0], s1  }
0x45: {  	s0 =	simm.s32 @!p0 $0x1  }
0x46: {  	_ =	swait.ge @!p0 [sflag:s0], s1  }
0x47: {  	s1 =	ssub.s32 @!p0 $0x0, s1;
	[sflag:s0] =	ssyncset.done @!p0 $0x0  }
0x48: {  	[sflag:s0] =	ssyncadd.s32 @!p0 s1  }
0x49: {  	[bflag:$0x3] =	sbarrier.arrive $0xFFFF  }
0x4a: {  	_ =	shalt  }

</sc_bundles>
